<compile_context>
chip_gen: v7x
topology: tpu7x:2x2x1
jax: 0.10.2.dev20260603
libtpu: 0.0.44.dev20260713+nightly
codegen_flags: <defaults>
</compile_context>

<pallas_src>
import jax
import jax.numpy as jnp
from jax import lax
from jax.experimental import pallas as pl
from jax.experimental.pallas import tpu as pltpu
from jax.experimental.pallas import tpu_sc as plsc

B = 4096
L = 200
D = 64
NC = 2
NS = 16
NW = NC * NS
ROWS = B * L
RPW = ROWS // NW
BW = 256
CPP = B // BW
NCHUNK = RPW // BW
G = 128
NG = BW // G
NBUF = 2
LANES = 16
VPR = D // LANES


def _sc_body(seq_hbm, tab_hbm, pos_hbm, out_hbm, posv, idxall, rowsv, *sems):
    gsems = sems[:NBUF]
    osems = sems[NBUF:]
    cid = lax.axis_index("c")
    sid = lax.axis_index("s")
    wid = sid * NC + cid

    pltpu.sync_copy(pos_hbm, posv)
    pltpu.sync_copy(seq_hbm.at[pl.ds(wid * RPW, RPW)], idxall)

    def gathers_start(c, b):
        for h in range(NG):
            pltpu.async_copy(
                tab_hbm.at[idxall.at[pl.ds((c * NG + h) * G, G)]],
                rowsv.at[pl.ds(b * BW + h * G, G)],
                gsems[b],
            )

    def gathers_wait(c, b):
        for h in range(NG):
            pltpu.make_async_copy(
                tab_hbm.at[idxall.at[pl.ds((c * NG + h) * G, G)]],
                rowsv.at[pl.ds(b * BW + h * G, G)],
                gsems[b],
            ).wait()


    def out_copy(c, b, start):
        gc = wid * NCHUNK + c
        l = gc // CPP
        b0 = (gc % CPP) * BW
        desc = pltpu.make_async_copy(
            rowsv.at[pl.ds(b * BW, BW)],
            out_hbm.at[l, pl.ds(b0, BW)],
            osems[b],
        )
        if start:
            desc.start()
        else:
            desc.wait()

    for b in range(NBUF - 1):
        gathers_start(b, b)

    @pl.loop(0, NCHUNK, step=NBUF)
    def outer(C):
        for b in range(NBUF):
            c = C + b
            bg = (b + NBUF - 1) % NBUF
            g = c + NBUF - 1

            gathers_wait(c, b)

            gc = wid * NCHUNK + c
            l = gc // CPP
            pos = [posv[l, pl.ds(k * LANES, LANES)] for k in range(VPR)]
            rbase = b * BW

            @plsc.parallel_loop(0, BW, unroll=8)
            def row_loop(j):
                for k in range(VPR):
                    sl = pl.ds(k * LANES, LANES)
                    rowsv[rbase + j, sl] = rowsv[rbase + j, sl] + pos[k]

            out_copy(c, b, start=True)

            @pl.when(g < NCHUNK)
            def _():
                @pl.when(c >= 1)
                def _():
                    out_copy(c - 1, bg, start=False)

                gathers_start(g, bg)

    for b in range(NBUF):
        out_copy(NCHUNK - NBUF + b, b, start=False)


@jax.jit
def _sc_call(seq_flat, tab, pos_tab):
    mesh = plsc.VectorSubcoreMesh(
        core_axis_name="c", subcore_axis_name="s", num_cores=NC, num_subcores=NS
    )
    return pl.kernel(
        _sc_body,
        out_type=jax.ShapeDtypeStruct((L, B, 2 * D), jnp.float32),
        mesh=mesh,
        compiler_params=pltpu.CompilerParams(
            use_tc_tiling_on_sc=False, needs_layout_passes=False
        ),
        scratch_types=[
            pltpu.VMEM((L, D), jnp.float32),
            pltpu.VMEM((RPW,), jnp.int32),
            pltpu.VMEM((NBUF * BW, 2 * D), jnp.float32),
        ]
        + [pltpu.SemaphoreType.DMA] * (2 * NBUF),
    )(seq_flat, tab, pos_tab)


def kernel(seq, pos, neg, item_embedding, position_embedding):
    del pos, neg
    seq_flat = seq.T.astype(jnp.int32).reshape(-1)
    tabp = jnp.pad(item_embedding, ((0, 7), (0, D)))
    out = _sc_call(seq_flat, tabp, position_embedding)
    return jnp.transpose(out[:, :, :D], (1, 0, 2))

# --- scband reference (transcript-rebuilt; emitter-appended) ---
"""Pipeline reference for scband-sasrec-62113817035021 (READ-ONLY COPY).

The authoritative reference and input builder live on the scoring server;
editing this copy changes nothing except your own understanding.
"""

import jax, jax.numpy as jnp
import numpy as np

B = 4096
L = 200
VOCAB = 1000000
D = 64


def setup_inputs(seed: int = 0) -> dict:
    key = jax.random.key(seed)
    k1, k2, k3, k4, k5 = jax.random.split(key, 5)
    seq = jax.random.randint(k1, (B, L), 0, VOCAB + 1, dtype=jnp.int64) if jax.config.jax_enable_x64 else jax.random.randint(k1, (B, L), 0, VOCAB + 1).astype(jnp.int32)
    pos = jax.random.randint(k2, (B, L), 0, VOCAB + 1).astype(seq.dtype)
    neg = jax.random.randint(k3, (B, L), 0, VOCAB + 1).astype(seq.dtype)
    item_embedding = jax.random.normal(k4, (VOCAB + 1, D), dtype=jnp.float32)
    position_embedding = jax.random.normal(k5, (L, D), dtype=jnp.float32)
    return {
        "seq": seq,
        "pos": pos,
        "neg": neg,
        "item_embedding": item_embedding,
        "position_embedding": position_embedding,
    }


def reference(seq, pos, neg, item_embedding, position_embedding):
    # seq_embed = self.item_embedding(seq)
    seq_embed = jnp.take(item_embedding, seq, axis=0)
    # position = np.tile(np.arange(pos.shape[1]), (pos.shape[0], 1))
    position = jnp.tile(jnp.arange(pos.shape[1]), (pos.shape[0], 1))
    # pos_embed = self.position_embedding(position)
    pos_embed = jnp.take(position_embedding, position, axis=0)
    # input = seq_embed + pos_embed  (dropout is identity in eval mode)
    out = seq_embed + pos_embed
    return out

if __name__ == "__main__":
    import jax
    _d = setup_inputs()
    print(jax.jit(kernel)(*tuple(_d.values())))

</pallas_src>

<mosaic_0001>
#map = affine_map<(d0, d1) -> (0)>
#map1 = affine_map<(d0, d1) -> (0, 0)>
#map2 = affine_map<(d0, d1) -> (0, 0, 0)>
module attributes {stable_mosaic.version = 14 : i64} {
  func.func @_sc_body(%arg0: i32, %arg1: i32, %arg2: memref<819200xi32, #tpu.memory_space<hbm>>, %arg3: memref<1000008x128xf32, #tpu.memory_space<hbm>>, %arg4: memref<200x64xf32, #tpu.memory_space<hbm>>, %arg5: memref<200x4096x128xf32, #tpu.memory_space<hbm>>, %arg6: memref<200x64xf32, #tpu.memory_space<vmem>>, %arg7: memref<25600xi32, #tpu.memory_space<vmem>>, %arg8: memref<512x128xf32, #tpu.memory_space<vmem>>, %arg9: memref<!tpu.dma_semaphore, #tpu.memory_space<semaphore_mem>>, %arg10: memref<!tpu.dma_semaphore, #tpu.memory_space<semaphore_mem>>, %arg11: memref<!tpu.dma_semaphore, #tpu.memory_space<semaphore_mem>>, %arg12: memref<!tpu.dma_semaphore, #tpu.memory_space<semaphore_mem>>) attributes {dimension_semantics = [#tpu.dimension_semantics<core_parallel>, #tpu.dimension_semantics<subcore_parallel>], iteration_bounds = array<i64: 2, 16>, scalar_prefetch = 0 : i64, scratch_operands = 7 : i64, tpu.core_type = #tpu.core_type<sc_vector_subcore>, window_params = [{transform_indices = #map}, {transform_indices = #map1}, {transform_indices = #map1}, {transform_indices = #map2}]} {
    %mul3A = arith.constant 2 : i32
    %mul3A_0 = arith.muli %arg1, %mul3A : i32
    %add3A = arith.addi %mul3A_0, %arg0 : i32
    "tpu.region"() ({
      %run_scoped3A = tpu.sem_alloc : memref<!tpu.dma_semaphore, #tpu.memory_space<semaphore_mem>>
      tpu.enqueue_dma source(%arg4 : memref<200x64xf32, #tpu.memory_space<hbm>>) target(%arg6 : memref<200x64xf32, #tpu.memory_space<vmem>>) target_semaphore(%run_scoped3A : memref<!tpu.dma_semaphore, #tpu.memory_space<semaphore_mem>>)
      tpu.wait_dma2 semaphore(%run_scoped3A : memref<!tpu.dma_semaphore, #tpu.memory_space<semaphore_mem>>) src(%arg4 : memref<200x64xf32, #tpu.memory_space<hbm>>) dst(%arg6 : memref<200x64xf32, #tpu.memory_space<vmem>>)
      tpu.yield
    }) : () -> ()
    %mul3A_1 = arith.constant 25600 : i32
    %mul3A_2 = arith.muli %add3A, %mul3A_1 : i32
    "tpu.region"() ({
      %run_scoped3A = tpu.sem_alloc : memref<!tpu.dma_semaphore, #tpu.memory_space<semaphore_mem>>
      %dma_start3A_127 = tpu.memref_slice %arg2[%mul3A_2] : memref<819200xi32, #tpu.memory_space<hbm>> -> memref<25600xi32, #tpu.memory_space<hbm>>
      %dma_start3A_128 = tpu.memref_slice %arg2[%mul3A_2] : memref<819200xi32, #tpu.memory_space<hbm>> -> memref<25600xi32, #tpu.memory_space<hbm>>
      tpu.enqueue_dma source(%dma_start3A_128 : memref<25600xi32, #tpu.memory_space<hbm>>) target(%arg7 : memref<25600xi32, #tpu.memory_space<vmem>>) target_semaphore(%run_scoped3A : memref<!tpu.dma_semaphore, #tpu.memory_space<semaphore_mem>>)
      %dma_wait3A_129 = tpu.memref_slice %arg2[%mul3A_2] : memref<819200xi32, #tpu.memory_space<hbm>> -> memref<25600xi32, #tpu.memory_space<hbm>>
      %dma_wait3A_130 = tpu.memref_slice %arg2[%mul3A_2] : memref<819200xi32, #tpu.memory_space<hbm>> -> memref<25600xi32, #tpu.memory_space<hbm>>
      tpu.wait_dma2 semaphore(%run_scoped3A : memref<!tpu.dma_semaphore, #tpu.memory_space<semaphore_mem>>) src(%dma_wait3A_130 : memref<25600xi32, #tpu.memory_space<hbm>>) dst(%arg7 : memref<25600xi32, #tpu.memory_space<vmem>>)
      tpu.yield
    }) : () -> ()
    %dma_start3A = arith.constant 0 : i32
    %dma_start3A_3 = arith.constant 0 : i32
    %dma_start3A_4 = tpu.memref_slice %arg8[%dma_start3A, %dma_start3A_3] : memref<512x128xf32, #tpu.memory_space<vmem>> -> memref<128x128xf32, #tpu.memory_space<vmem>>
    %dma_start3A_5 = arith.constant 0 : i32
    %dma_start3A_6 = tpu.memref_slice %arg7[%dma_start3A_5] : memref<25600xi32, #tpu.memory_space<vmem>> -> memref<128xi32, #tpu.memory_space<vmem>>
    %dma_start3A_7 = arith.constant 0 : i32
    %dma_start3A_8 = arith.constant 0 : i32
    %dma_start3A_9 = tpu.memref_slice %arg3[%dma_start3A_7, %dma_start3A_8] : memref<1000008x128xf32, #tpu.memory_space<hbm>> -> memref<1000008x128xf32, #tpu.memory_space<hbm>>
    tpu.enqueue_indirect_dma source(%dma_start3A_9 : memref<1000008x128xf32, #tpu.memory_space<hbm>>) target(%dma_start3A_4 : memref<128x128xf32, #tpu.memory_space<vmem>>) offsets(%dma_start3A_6 : memref<128xi32, #tpu.memory_space<vmem>>) semaphore(%arg9 : memref<!tpu.dma_semaphore, #tpu.memory_space<semaphore_mem>>)
    %dma_start3A_10 = arith.constant 128 : i32
    %dma_start3A_11 = arith.constant 0 : i32
    %dma_start3A_12 = tpu.memref_slice %arg8[%dma_start3A_10, %dma_start3A_11] : memref<512x128xf32, #tpu.memory_space<vmem>> -> memref<128x128xf32, #tpu.memory_space<vmem>>
    %dma_start3A_13 = arith.constant 128 : i32
    %dma_start3A_14 = tpu.memref_slice %arg7[%dma_start3A_13] : memref<25600xi32, #tpu.memory_space<vmem>> -> memref<128xi32, #tpu.memory_space<vmem>>
    %dma_start3A_15 = arith.constant 0 : i32
    %dma_start3A_16 = arith.constant 0 : i32
    %dma_start3A_17 = tpu.memref_slice %arg3[%dma_start3A_15, %dma_start3A_16] : memref<1000008x128xf32, #tpu.memory_space<hbm>> -> memref<1000008x128xf32, #tpu.memory_space<hbm>>
    tpu.enqueue_indirect_dma source(%dma_start3A_17 : memref<1000008x128xf32, #tpu.memory_space<hbm>>) target(%dma_start3A_12 : memref<128x128xf32, #tpu.memory_space<vmem>>) offsets(%dma_start3A_14 : memref<128xi32, #tpu.memory_space<vmem>>) semaphore(%arg9 : memref<!tpu.dma_semaphore, #tpu.memory_space<semaphore_mem>>)
    %scan3A = arith.constant 0 : i32
    %scan3A_18 = arith.constant 50 : i32
    %scan3A_19 = arith.addi %scan3A, %scan3A_18 : i32
    %scan3A_20 = arith.constant 1 : i32
    scf.for %scan3A_127 = %scan3A to %scan3A_19 step %scan3A_20  : i32 {
      %mul3A_128 = arith.constant 2 : i32
      %mul3A_129 = arith.muli %scan3A_127, %mul3A_128 : i32
      %add3A_130 = arith.constant 0 : i32
      %add3A_131 = arith.addi %add3A_130, %mul3A_129 : i32
      %add3A_132 = arith.constant 0 : i32
      %add3A_133 = arith.addi %add3A_131, %add3A_132 : i32
      %add3A_134 = arith.constant 2 : i32
      %add3A_135 = arith.addi %add3A_133, %add3A_134 : i32
      %sub3A_136 = arith.constant 1 : i32
      %sub3A_137 = arith.subi %add3A_135, %sub3A_136 : i32
      %mul3A_138 = arith.constant 2 : i32
      %mul3A_139 = arith.muli %add3A_133, %mul3A_138 : i32
      %add3A_140 = arith.constant 0 : i32
      %add3A_141 = arith.addi %mul3A_139, %add3A_140 : i32
      %mul3A_142 = arith.constant 128 : i32
      %mul3A_143 = arith.muli %add3A_141, %mul3A_142 : i32
      %dma_wait3A_144 = arith.constant 0 : i32
      %dma_wait3A_145 = arith.constant 0 : i32
      %dma_wait3A_146 = tpu.memref_slice %arg8[%dma_wait3A_144, %dma_wait3A_145] : memref<512x128xf32, #tpu.memory_space<vmem>> -> memref<128x128xf32, #tpu.memory_space<vmem>>
      %dma_wait3A_147 = tpu.memref_slice %arg7[%mul3A_143] : memref<25600xi32, #tpu.memory_space<vmem>> -> memref<128xi32, #tpu.memory_space<vmem>>
      %dma_wait3A_148 = arith.constant 0 : i32
      %dma_wait3A_149 = arith.constant 0 : i32
      %dma_wait3A_150 = tpu.memref_slice %arg3[%dma_wait3A_148, %dma_wait3A_149] : memref<1000008x128xf32, #tpu.memory_space<hbm>> -> memref<1000008x128xf32, #tpu.memory_space<hbm>>
      tpu.wait_indirect_dma semaphore(%arg9 : memref<!tpu.dma_semaphore, #tpu.memory_space<semaphore_mem>>) src(%dma_wait3A_150 : memref<1000008x128xf32, #tpu.memory_space<hbm>>) dst(%dma_wait3A_146 : memref<128x128xf32, #tpu.memory_space<vmem>>)
      %mul3A_151 = arith.constant 2 : i32
      %mul3A_152 = arith.muli %add3A_133, %mul3A_151 : i32
      %add3A_153 = arith.constant 1 : i32
      %add3A_154 = arith.addi %mul3A_152, %add3A_153 : i32
      %mul3A_155 = arith.constant 128 : i32
      %mul3A_156 = arith.muli %add3A_154, %mul3A_155 : i32
      %dma_wait3A_157 = arith.constant 128 : i32
      %dma_wait3A_158 = arith.constant 0 : i32
      %dma_wait3A_159 = tpu.memref_slice %arg8[%dma_wait3A_157, %dma_wait3A_158] : memref<512x128xf32, #tpu.memory_space<vmem>> -> memref<128x128xf32, #tpu.memory_space<vmem>>
      %dma_wait3A_160 = tpu.memref_slice %arg7[%mul3A_156] : memref<25600xi32, #tpu.memory_space<vmem>> -> memref<128xi32, #tpu.memory_space<vmem>>
      %dma_wait3A_161 = arith.constant 0 : i32
      %dma_wait3A_162 = arith.constant 0 : i32
      %dma_wait3A_163 = tpu.memref_slice %arg3[%dma_wait3A_161, %dma_wait3A_162] : memref<1000008x128xf32, #tpu.memory_space<hbm>> -> memref<1000008x128xf32, #tpu.memory_space<hbm>>
      tpu.wait_indirect_dma semaphore(%arg9 : memref<!tpu.dma_semaphore, #tpu.memory_space<semaphore_mem>>) src(%dma_wait3A_163 : memref<1000008x128xf32, #tpu.memory_space<hbm>>) dst(%dma_wait3A_159 : memref<128x128xf32, #tpu.memory_space<vmem>>)
      %mul3A_164 = arith.constant 100 : i32
      %mul3A_165 = arith.muli %add3A, %mul3A_164 : i32
      %add3A_166 = arith.addi %mul3A_165, %add3A_133 : i32
      %jit3A_167 = arith.constant 16 : i32
      %div3A_168 = arith.divsi %add3A_166, %jit3A_167 : i32
      %sign3A_169 = arith.constant 0 : i32
      %sign3A_170 = arith.cmpi sgt, %add3A_166, %sign3A_169 : i32
      %sign3A_171 = arith.extui %sign3A_170 : i1 to i32
      %sign3A_172 = arith.constant 0 : i32
      %sign3A_173 = arith.cmpi slt, %add3A_166, %sign3A_172 : i32
      %sign3A_174 = arith.extui %sign3A_173 : i1 to i32
      %sign3A_175 = arith.subi %sign3A_171, %sign3A_174 : i32
      %sign3A_176 = arith.constant 0 : i32
      %sign3A_177 = arith.cmpi sgt, %jit3A_167, %sign3A_176 : i32
      %sign3A_178 = arith.extui %sign3A_177 : i1 to i32
      %sign3A_179 = arith.constant 0 : i32
      %sign3A_180 = arith.cmpi slt, %jit3A_167, %sign3A_179 : i32
      %sign3A_181 = arith.extui %sign3A_180 : i1 to i32
      %sign3A_182 = arith.subi %sign3A_178, %sign3A_181 : i32
      %ne3A_183 = arith.cmpi ne, %sign3A_175, %sign3A_182 : i32
      %rem3A_184 = arith.remsi %add3A_166, %jit3A_167 : i32
      %ne3A_185 = arith.constant 0 : i32
      %ne3A_186 = arith.cmpi ne, %rem3A_184, %ne3A_185 : i32
      %and3A_187 = arith.andi %ne3A_183, %ne3A_186 : i1
      %sub3A_188 = arith.constant 1 : i32
      %sub3A_189 = arith.subi %div3A_168, %sub3A_188 : i32
      %select_n3A_190 = arith.select %and3A_187, %sub3A_189, %div3A_168 : i32
      %get3A = arith.index_cast %select_n3A_190 : i32 to index
      %get3A_191 = arith.constant 0 : index
      %get3A_192 = tpu.vector_load %arg6[%get3A, %get3A_191] {strides = array<i32>} : memref<200x64xf32, #tpu.memory_space<vmem>>, vector<16xf32>,
      %get3A_193 = arith.index_cast %select_n3A_190 : i32 to index
      %get3A_194 = arith.constant 16 : index
      %get3A_195 = tpu.vector_load %arg6[%get3A_193, %get3A_194] {strides = array<i32>} : memref<200x64xf32, #tpu.memory_space<vmem>>, vector<16xf32>,
      %get3A_196 = arith.index_cast %select_n3A_190 : i32 to index
      %get3A_197 = arith.constant 32 : index
      %get3A_198 = tpu.vector_load %arg6[%get3A_196, %get3A_197] {strides = array<i32>} : memref<200x64xf32, #tpu.memory_space<vmem>>, vector<16xf32>,
      %get3A_199 = arith.index_cast %select_n3A_190 : i32 to index
      %get3A_200 = arith.constant 48 : index
      %get3A_201 = tpu.vector_load %arg6[%get3A_199, %get3A_200] {strides = array<i32>} : memref<200x64xf32, #tpu.memory_space<vmem>>, vector<16xf32>,
      %parallel_loop3A = arith.constant 0 : i32
      %parallel_loop3A_202 = arith.constant 256 : i32
      %parallel_loop3A_203 = arith.constant 1 : i32
      scf.for %parallel_loop3A_400 = %parallel_loop3A to %parallel_loop3A_202 step %parallel_loop3A_203  : i32 {
        %parallel_loop3A_401 = arith.constant 0 : i32
        %parallel_loop3A_402 = arith.addi %parallel_loop3A_401, %parallel_loop3A_400 : i32
        %parallel_loop3A_403 = arith.index_cast %parallel_loop3A_402 : i32 to index
        %parallel_loop3A_404 = arith.constant 0 : index
        %parallel_loop3A_405 = tpu.vector_load %arg8[%parallel_loop3A_403, %parallel_loop3A_404] {strides = array<i32>} : memref<512x128xf32, #tpu.memory_space<vmem>>, vector<16xf32>,
        %parallel_loop3A_406 = arith.addf %parallel_loop3A_405, %get3A_192 : vector<16xf32>
        %parallel_loop3A_407 = arith.constant 0 : i32
        %parallel_loop3A_408 = arith.addi %parallel_loop3A_407, %parallel_loop3A_400 : i32
        %parallel_loop3A_409 = arith.index_cast %parallel_loop3A_408 : i32 to index
        %parallel_loop3A_410 = arith.constant 0 : index
        %parallel_loop3A_411 = tpu.vector_load %arg8[%parallel_loop3A_409, %parallel_loop3A_410] {strides = array<i32>} : memref<512x128xf32, #tpu.memory_space<vmem>>, vector<16xf32>,
        tpu.vector_store %arg8[%parallel_loop3A_409, %parallel_loop3A_410], %parallel_loop3A_406 {strides = array<i32>} : memref<512x128xf32, #tpu.memory_space<vmem>>, vector<16xf32>,
        %parallel_loop3A_412 = arith.constant 0 : i32
        %parallel_loop3A_413 = arith.addi %parallel_loop3A_412, %parallel_loop3A_400 : i32
        %parallel_loop3A_414 = arith.index_cast %parallel_loop3A_413 : i32 to index
        %parallel_loop3A_415 = arith.constant 16 : index
        %parallel_loop3A_416 = tpu.vector_load %arg8[%parallel_loop3A_414, %parallel_loop3A_415] {strides = array<i32>} : memref<512x128xf32, #tpu.memory_space<vmem>>, vector<16xf32>,
        %parallel_loop3A_417 = arith.addf %parallel_loop3A_416, %get3A_195 : vector<16xf32>
        %parallel_loop3A_418 = arith.constant 0 : i32
        %parallel_loop3A_419 = arith.addi %parallel_loop3A_418, %parallel_loop3A_400 : i32
        %parallel_loop3A_420 = arith.index_cast %parallel_loop3A_419 : i32 to index
        %parallel_loop3A_421 = arith.constant 16 : index
        %parallel_loop3A_422 = tpu.vector_load %arg8[%parallel_loop3A_420, %parallel_loop3A_421] {strides = array<i32>} : memref<512x128xf32, #tpu.memory_space<vmem>>, vector<16xf32>,
        tpu.vector_store %arg8[%parallel_loop3A_420, %parallel_loop3A_421], %parallel_loop3A_417 {strides = array<i32>} : memref<512x128xf32, #tpu.memory_space<vmem>>, vector<16xf32>,
        %parallel_loop3A_423 = arith.constant 0 : i32
        %parallel_loop3A_424 = arith.addi %parallel_loop3A_423, %parallel_loop3A_400 : i32
        %parallel_loop3A_425 = arith.index_cast %parallel_loop3A_424 : i32 to index
        %parallel_loop3A_426 = arith.constant 32 : index
        %parallel_loop3A_427 = tpu.vector_load %arg8[%parallel_loop3A_425, %parallel_loop3A_426] {strides = array<i32>} : memref<512x128xf32, #tpu.memory_space<vmem>>, vector<16xf32>,
        %parallel_loop3A_428 = arith.addf %parallel_loop3A_427, %get3A_198 : vector<16xf32>
        %parallel_loop3A_429 = arith.constant 0 : i32
        %parallel_loop3A_430 = arith.addi %parallel_loop3A_429, %parallel_loop3A_400 : i32
        %parallel_loop3A_431 = arith.index_cast %parallel_loop3A_430 : i32 to index
        %parallel_loop3A_432 = arith.constant 32 : index
        %parallel_loop3A_433 = tpu.vector_load %arg8[%parallel_loop3A_431, %parallel_loop3A_432] {strides = array<i32>} : memref<512x128xf32, #tpu.memory_space<vmem>>, vector<16xf32>,
        tpu.vector_store %arg8[%parallel_loop3A_431, %parallel_loop3A_432], %parallel_loop3A_428 {strides = array<i32>} : memref<512x128xf32, #tpu.memory_space<vmem>>, vector<16xf32>,
        %parallel_loop3A_434 = arith.constant 0 : i32
        %parallel_loop3A_435 = arith.addi %parallel_loop3A_434, %parallel_loop3A_400 : i32
        %parallel_loop3A_436 = arith.index_cast %parallel_loop3A_435 : i32 to index
        %parallel_loop3A_437 = arith.constant 48 : index
        %parallel_loop3A_438 = tpu.vector_load %arg8[%parallel_loop3A_436, %parallel_loop3A_437] {strides = array<i32>} : memref<512x128xf32, #tpu.memory_space<vmem>>, vector<16xf32>,
        %parallel_loop3A_439 = arith.addf %parallel_loop3A_438, %get3A_201 : vector<16xf32>
        %parallel_loop3A_440 = arith.constant 0 : i32
        %parallel_loop3A_441 = arith.addi %parallel_loop3A_440, %parallel_loop3A_400 : i32
        %parallel_loop3A_442 = arith.index_cast %parallel_loop3A_441 : i32 to index
        %parallel_loop3A_443 = arith.constant 48 : index
        %parallel_loop3A_444 = tpu.vector_load %arg8[%parallel_loop3A_442, %parallel_loop3A_443] {strides = array<i32>} : memref<512x128xf32, #tpu.memory_space<vmem>>, vector<16xf32>,
        tpu.vector_store %arg8[%parallel_loop3A_442, %parallel_loop3A_443], %parallel_loop3A_439 {strides = array<i32>} : memref<512x128xf32, #tpu.memory_space<vmem>>, vector<16xf32>,
      } {sc.loop_unroll_factor = 8 : i64, sc.parallel_access}
      %mul3A_204 = arith.constant 100 : i32
      %mul3A_205 = arith.muli %add3A, %mul3A_204 : i32
      %add3A_206 = arith.addi %mul3A_205, %add3A_133 : i32
      %jit3A_207 = arith.constant 16 : i32
      %div3A_208 = arith.divsi %add3A_206, %jit3A_207 : i32
      %sign3A_209 = arith.constant 0 : i32
      %sign3A_210 = arith.cmpi sgt, %add3A_206, %sign3A_209 : i32
      %sign3A_211 = arith.extui %sign3A_210 : i1 to i32
      %sign3A_212 = arith.constant 0 : i32
      %sign3A_213 = arith.cmpi slt, %add3A_206, %sign3A_212 : i32
      %sign3A_214 = arith.extui %sign3A_213 : i1 to i32
      %sign3A_215 = arith.subi %sign3A_211, %sign3A_214 : i32
      %sign3A_216 = arith.constant 0 : i32
      %sign3A_217 = arith.cmpi sgt, %jit3A_207, %sign3A_216 : i32
      %sign3A_218 = arith.extui %sign3A_217 : i1 to i32
      %sign3A_219 = arith.constant 0 : i32
      %sign3A_220 = arith.cmpi slt, %jit3A_207, %sign3A_219 : i32
      %sign3A_221 = arith.extui %sign3A_220 : i1 to i32
      %sign3A_222 = arith.subi %sign3A_218, %sign3A_221 : i32
      %ne3A_223 = arith.cmpi ne, %sign3A_215, %sign3A_222 : i32
      %rem3A_224 = arith.remsi %add3A_206, %jit3A_207 : i32
      %ne3A_225 = arith.constant 0 : i32
      %ne3A_226 = arith.cmpi ne, %rem3A_224, %ne3A_225 : i32
      %and3A_227 = arith.andi %ne3A_223, %ne3A_226 : i1
      %sub3A_228 = arith.constant 1 : i32
      %sub3A_229 = arith.subi %div3A_208, %sub3A_228 : i32
      %select_n3A_230 = arith.select %and3A_227, %sub3A_229, %div3A_208 : i32
      %jit3A_231 = arith.constant 16 : i32
      %eq3A_232 = arith.constant 0 : i32
      %eq3A_233 = arith.cmpi eq, %jit3A_231, %eq3A_232 : i32
      %jit3A_234 = arith.constant 1 : i32
      %select_n3A_235 = arith.select %eq3A_233, %jit3A_234, %jit3A_231 : i32
      %rem3A_236 = arith.remsi %add3A_206, %select_n3A_235 : i32
      %ne3A_237 = arith.constant 0 : i32
      %ne3A_238 = arith.cmpi ne, %rem3A_236, %ne3A_237 : i32
      %lt3A_239 = arith.constant 0 : i32
      %lt3A_240 = arith.cmpi slt, %rem3A_236, %lt3A_239 : i32
      %lt3A_241 = arith.constant 0 : i32
      %lt3A_242 = arith.cmpi slt, %select_n3A_235, %lt3A_241 : i32
      %ne3A_243 = arith.xori %lt3A_240, %lt3A_242 : i1
      %and3A_244 = arith.andi %ne3A_243, %ne3A_238 : i1
      %add3A_245 = arith.addi %rem3A_236, %select_n3A_235 : i32
      %select_n3A_246 = arith.select %and3A_244, %add3A_245, %rem3A_236 : i32
      %mul3A_247 = arith.constant 256 : i32
      %mul3A_248 = arith.muli %select_n3A_246, %mul3A_247 : i32
      %dma_start3A_249 = arith.constant 0 : i32
      %dma_start3A_250 = arith.constant 0 : i32
      %dma_start3A_251 = tpu.memref_slice %arg8[%dma_start3A_249, %dma_start3A_250] : memref<512x128xf32, #tpu.memory_space<vmem>> -> memref<256x128xf32, #tpu.memory_space<vmem>>
      %dma_start3A_252 = arith.constant 0 : i32
      %dma_start3A_253 = tpu.memref_slice %arg5[%select_n3A_230, %mul3A_248, %dma_start3A_252] : memref<200x4096x128xf32, #tpu.memory_space<hbm>> -> memref<1x256x128xf32, #tpu.memory_space<hbm>>
      %dma_start3A_254 = tpu.memref_squeeze %dma_start3A_253 : memref<1x256x128xf32, #tpu.memory_space<hbm>> -> memref<256x128xf32, #tpu.memory_space<hbm>>
      %dma_start3A_255 = arith.constant 0 : i32
      %dma_start3A_256 = tpu.memref_slice %arg5[%select_n3A_230, %mul3A_248, %dma_start3A_255] : memref<200x4096x128xf32, #tpu.memory_space<hbm>> -> memref<1x256x128xf32, #tpu.memory_space<hbm>>
      %dma_start3A_257 = tpu.memref_squeeze %dma_start3A_256 : memref<1x256x128xf32, #tpu.memory_space<hbm>> -> memref<256x128xf32, #tpu.memory_space<hbm>>
      %dma_start3A_258 = arith.constant 0 : i32
      %dma_start3A_259 = arith.constant 0 : i32
      %dma_start3A_260 = tpu.memref_slice %arg8[%dma_start3A_258, %dma_start3A_259] : memref<512x128xf32, #tpu.memory_space<vmem>> -> memref<256x128xf32, #tpu.memory_space<vmem>>
      tpu.enqueue_dma source(%dma_start3A_260 : memref<256x128xf32, #tpu.memory_space<vmem>>) target(%dma_start3A_257 : memref<256x128xf32, #tpu.memory_space<hbm>>) target_semaphore(%arg11 : memref<!tpu.dma_semaphore, #tpu.memory_space<semaphore_mem>>)
      %lt3A_261 = arith.constant 100 : i32
      %lt3A_262 = arith.cmpi slt, %sub3A_137, %lt3A_261 : i32
      %convert_element_type3A = arith.extui %lt3A_262 : i1 to i32
      %cond3A = arith.constant 0 : i32
      %cond3A_263 = arith.cmpi ne, %convert_element_type3A, %cond3A : i32
      scf.if %cond3A_263 {
        %ge3A = arith.constant 1 : i32
        %ge3A_400 = arith.cmpi sge, %add3A_133, %ge3A : i32
        %convert_element_type3A_401 = arith.extui %ge3A_400 : i1 to i32
        %cond3A_402 = arith.constant 0 : i32
        %cond3A_403 = arith.cmpi ne, %convert_element_type3A_401, %cond3A_402 : i32
        scf.if %cond3A_403 {
          %sub3A_430 = arith.constant 1 : i32
          %sub3A_431 = arith.subi %add3A_133, %sub3A_430 : i32
          %mul3A_432 = arith.constant 100 : i32
          %mul3A_433 = arith.muli %add3A, %mul3A_432 : i32
          %add3A_434 = arith.addi %mul3A_433, %sub3A_431 : i32
          %jit3A_435 = arith.constant 16 : i32
          %div3A_436 = arith.divsi %add3A_434, %jit3A_435 : i32
          %sign3A_437 = arith.constant 0 : i32
          %sign3A_438 = arith.cmpi sgt, %add3A_434, %sign3A_437 : i32
          %sign3A_439 = arith.extui %sign3A_438 : i1 to i32
          %sign3A_440 = arith.constant 0 : i32
          %sign3A_441 = arith.cmpi slt, %add3A_434, %sign3A_440 : i32
          %sign3A_442 = arith.extui %sign3A_441 : i1 to i32
          %sign3A_443 = arith.subi %sign3A_439, %sign3A_442 : i32
          %sign3A_444 = arith.constant 0 : i32
          %sign3A_445 = arith.cmpi sgt, %jit3A_435, %sign3A_444 : i32
          %sign3A_446 = arith.extui %sign3A_445 : i1 to i32
          %sign3A_447 = arith.constant 0 : i32
          %sign3A_448 = arith.cmpi slt, %jit3A_435, %sign3A_447 : i32
          %sign3A_449 = arith.extui %sign3A_448 : i1 to i32
          %sign3A_450 = arith.subi %sign3A_446, %sign3A_449 : i32
          %ne3A_451 = arith.cmpi ne, %sign3A_443, %sign3A_450 : i32
          %rem3A_452 = arith.remsi %add3A_434, %jit3A_435 : i32
          %ne3A_453 = arith.constant 0 : i32
          %ne3A_454 = arith.cmpi ne, %rem3A_452, %ne3A_453 : i32
          %and3A_455 = arith.andi %ne3A_451, %ne3A_454 : i1
          %sub3A_456 = arith.constant 1 : i32
          %sub3A_457 = arith.subi %div3A_436, %sub3A_456 : i32
          %select_n3A_458 = arith.select %and3A_455, %sub3A_457, %div3A_436 : i32
          %jit3A_459 = arith.constant 16 : i32
          %eq3A_460 = arith.constant 0 : i32
          %eq3A_461 = arith.cmpi eq, %jit3A_459, %eq3A_460 : i32
          %jit3A_462 = arith.constant 1 : i32
          %select_n3A_463 = arith.select %eq3A_461, %jit3A_462, %jit3A_459 : i32
          %rem3A_464 = arith.remsi %add3A_434, %select_n3A_463 : i32
          %ne3A_465 = arith.constant 0 : i32
          %ne3A_466 = arith.cmpi ne, %rem3A_464, %ne3A_465 : i32
          %lt3A_467 = arith.constant 0 : i32
          %lt3A_468 = arith.cmpi slt, %rem3A_464, %lt3A_467 : i32
          %lt3A_469 = arith.constant 0 : i32
          %lt3A_470 = arith.cmpi slt, %select_n3A_463, %lt3A_469 : i32
          %ne3A_471 = arith.xori %lt3A_468, %lt3A_470 : i1
          %and3A_472 = arith.andi %ne3A_471, %ne3A_466 : i1
          %add3A_473 = arith.addi %rem3A_464, %select_n3A_463 : i32
          %select_n3A_474 = arith.select %and3A_472, %add3A_473, %rem3A_464 : i32
          %mul3A_475 = arith.constant 256 : i32
          %mul3A_476 = arith.muli %select_n3A_474, %mul3A_475 : i32
          %dma_wait3A_477 = arith.constant 256 : i32
          %dma_wait3A_478 = arith.constant 0 : i32
          %dma_wait3A_479 = tpu.memref_slice %arg8[%dma_wait3A_477, %dma_wait3A_478] : memref<512x128xf32, #tpu.memory_space<vmem>> -> memref<256x128xf32, #tpu.memory_space<vmem>>
          %dma_wait3A_480 = arith.constant 0 : i32
          %dma_wait3A_481 = tpu.memref_slice %arg5[%select_n3A_458, %mul3A_476, %dma_wait3A_480] : memref<200x4096x128xf32, #tpu.memory_space<hbm>> -> memref<1x256x128xf32, #tpu.memory_space<hbm>>
          %dma_wait3A_482 = tpu.memref_squeeze %dma_wait3A_481 : memref<1x256x128xf32, #tpu.memory_space<hbm>> -> memref<256x128xf32, #tpu.memory_space<hbm>>
          %dma_wait3A_483 = arith.constant 0 : i32
          %dma_wait3A_484 = tpu.memref_slice %arg5[%select_n3A_458, %mul3A_476, %dma_wait3A_483] : memref<200x4096x128xf32, #tpu.memory_space<hbm>> -> memref<1x256x128xf32, #tpu.memory_space<hbm>>
          %dma_wait3A_485 = tpu.memref_squeeze %dma_wait3A_484 : memref<1x256x128xf32, #tpu.memory_space<hbm>> -> memref<256x128xf32, #tpu.memory_space<hbm>>
          %dma_wait3A_486 = arith.constant 256 : i32
          %dma_wait3A_487 = arith.constant 0 : i32
          %dma_wait3A_488 = tpu.memref_slice %arg8[%dma_wait3A_486, %dma_wait3A_487] : memref<512x128xf32, #tpu.memory_space<vmem>> -> memref<256x128xf32, #tpu.memory_space<vmem>>
          tpu.wait_dma2 semaphore(%arg12 : memref<!tpu.dma_semaphore, #tpu.memory_space<semaphore_mem>>) src(%dma_wait3A_488 : memref<256x128xf32, #tpu.memory_space<vmem>>) dst(%dma_wait3A_485 : memref<256x128xf32, #tpu.memory_space<hbm>>)
        } else {
        }
        %mul3A_404 = arith.constant 2 : i32
        %mul3A_405 = arith.muli %sub3A_137, %mul3A_404 : i32
        %add3A_406 = arith.constant 0 : i32
        %add3A_407 = arith.addi %mul3A_405, %add3A_406 : i32
        %mul3A_408 = arith.constant 128 : i32
        %mul3A_409 = arith.muli %add3A_407, %mul3A_408 : i32
        %dma_start3A_410 = arith.constant 256 : i32
        %dma_start3A_411 = arith.constant 0 : i32
        %dma_start3A_412 = tpu.memref_slice %arg8[%dma_start3A_410, %dma_start3A_411] : memref<512x128xf32, #tpu.memory_space<vmem>> -> memref<128x128xf32, #tpu.memory_space<vmem>>
        %dma_start3A_413 = tpu.memref_slice %arg7[%mul3A_409] : memref<25600xi32, #tpu.memory_space<vmem>> -> memref<128xi32, #tpu.memory_space<vmem>>
        %dma_start3A_414 = arith.constant 0 : i32
        %dma_start3A_415 = arith.constant 0 : i32
        %dma_start3A_416 = tpu.memref_slice %arg3[%dma_start3A_414, %dma_start3A_415] : memref<1000008x128xf32, #tpu.memory_space<hbm>> -> memref<1000008x128xf32, #tpu.memory_space<hbm>>
        tpu.enqueue_indirect_dma source(%dma_start3A_416 : memref<1000008x128xf32, #tpu.memory_space<hbm>>) target(%dma_start3A_412 : memref<128x128xf32, #tpu.memory_space<vmem>>) offsets(%dma_start3A_413 : memref<128xi32, #tpu.memory_space<vmem>>) semaphore(%arg10 : memref<!tpu.dma_semaphore, #tpu.memory_space<semaphore_mem>>)
        %mul3A_417 = arith.constant 2 : i32
        %mul3A_418 = arith.muli %sub3A_137, %mul3A_417 : i32
        %add3A_419 = arith.constant 1 : i32
        %add3A_420 = arith.addi %mul3A_418, %add3A_419 : i32
        %mul3A_421 = arith.constant 128 : i32
        %mul3A_422 = arith.muli %add3A_420, %mul3A_421 : i32
        %dma_start3A_423 = arith.constant 384 : i32
        %dma_start3A_424 = arith.constant 0 : i32
        %dma_start3A_425 = tpu.memref_slice %arg8[%dma_start3A_423, %dma_start3A_424] : memref<512x128xf32, #tpu.memory_space<vmem>> -> memref<128x128xf32, #tpu.memory_space<vmem>>
        %dma_start3A_426 = tpu.memref_slice %arg7[%mul3A_422] : memref<25600xi32, #tpu.memory_space<vmem>> -> memref<128xi32, #tpu.memory_space<vmem>>
        %dma_start3A_427 = arith.constant 0 : i32
        %dma_start3A_428 = arith.constant 0 : i32
        %dma_start3A_429 = tpu.memref_slice %arg3[%dma_start3A_427, %dma_start3A_428] : memref<1000008x128xf32, #tpu.memory_space<hbm>> -> memref<1000008x128xf32, #tpu.memory_space<hbm>>
        tpu.enqueue_indirect_dma source(%dma_start3A_429 : memref<1000008x128xf32, #tpu.memory_space<hbm>>) target(%dma_start3A_425 : memref<128x128xf32, #tpu.memory_space<vmem>>) offsets(%dma_start3A_426 : memref<128xi32, #tpu.memory_space<vmem>>) semaphore(%arg10 : memref<!tpu.dma_semaphore, #tpu.memory_space<semaphore_mem>>)
      } else {
      }
      %add3A_264 = arith.constant 1 : i32
      %add3A_265 = arith.addi %add3A_131, %add3A_264 : i32
      %add3A_266 = arith.constant 2 : i32
      %add3A_267 = arith.addi %add3A_265, %add3A_266 : i32
      %sub3A_268 = arith.constant 1 : i32
      %sub3A_269 = arith.subi %add3A_267, %sub3A_268 : i32
      %mul3A_270 = arith.constant 2 : i32
      %mul3A_271 = arith.muli %add3A_265, %mul3A_270 : i32
      %add3A_272 = arith.constant 0 : i32
      %add3A_273 = arith.addi %mul3A_271, %add3A_272 : i32
      %mul3A_274 = arith.constant 128 : i32
      %mul3A_275 = arith.muli %add3A_273, %mul3A_274 : i32
      %dma_wait3A_276 = arith.constant 256 : i32
      %dma_wait3A_277 = arith.constant 0 : i32
      %dma_wait3A_278 = tpu.memref_slice %arg8[%dma_wait3A_276, %dma_wait3A_277] : memref<512x128xf32, #tpu.memory_space<vmem>> -> memref<128x128xf32, #tpu.memory_space<vmem>>
      %dma_wait3A_279 = tpu.memref_slice %arg7[%mul3A_275] : memref<25600xi32, #tpu.memory_space<vmem>> -> memref<128xi32, #tpu.memory_space<vmem>>
      %dma_wait3A_280 = arith.constant 0 : i32
      %dma_wait3A_281 = arith.constant 0 : i32
      %dma_wait3A_282 = tpu.memref_slice %arg3[%dma_wait3A_280, %dma_wait3A_281] : memref<1000008x128xf32, #tpu.memory_space<hbm>> -> memref<1000008x128xf32, #tpu.memory_space<hbm>>
      tpu.wait_indirect_dma semaphore(%arg10 : memref<!tpu.dma_semaphore, #tpu.memory_space<semaphore_mem>>) src(%dma_wait3A_282 : memref<1000008x128xf32, #tpu.memory_space<hbm>>) dst(%dma_wait3A_278 : memref<128x128xf32, #tpu.memory_space<vmem>>)
      %mul3A_283 = arith.constant 2 : i32
      %mul3A_284 = arith.muli %add3A_265, %mul3A_283 : i32
      %add3A_285 = arith.constant 1 : i32
      %add3A_286 = arith.addi %mul3A_284, %add3A_285 : i32
      %mul3A_287 = arith.constant 128 : i32
      %mul3A_288 = arith.muli %add3A_286, %mul3A_287 : i32
      %dma_wait3A_289 = arith.constant 384 : i32
      %dma_wait3A_290 = arith.constant 0 : i32
      %dma_wait3A_291 = tpu.memref_slice %arg8[%dma_wait3A_289, %dma_wait3A_290] : memref<512x128xf32, #tpu.memory_space<vmem>> -> memref<128x128xf32, #tpu.memory_space<vmem>>
      %dma_wait3A_292 = tpu.memref_slice %arg7[%mul3A_288] : memref<25600xi32, #tpu.memory_space<vmem>> -> memref<128xi32, #tpu.memory_space<vmem>>
      %dma_wait3A_293 = arith.constant 0 : i32
      %dma_wait3A_294 = arith.constant 0 : i32
      %dma_wait3A_295 = tpu.memref_slice %arg3[%dma_wait3A_293, %dma_wait3A_294] : memref<1000008x128xf32, #tpu.memory_space<hbm>> -> memref<1000008x128xf32, #tpu.memory_space<hbm>>
      tpu.wait_indirect_dma semaphore(%arg10 : memref<!tpu.dma_semaphore, #tpu.memory_space<semaphore_mem>>) src(%dma_wait3A_295 : memref<1000008x128xf32, #tpu.memory_space<hbm>>) dst(%dma_wait3A_291 : memref<128x128xf32, #tpu.memory_space<vmem>>)
      %mul3A_296 = arith.constant 100 : i32
      %mul3A_297 = arith.muli %add3A, %mul3A_296 : i32
      %add3A_298 = arith.addi %mul3A_297, %add3A_265 : i32
      %jit3A_299 = arith.constant 16 : i32
      %div3A_300 = arith.divsi %add3A_298, %jit3A_299 : i32
      %sign3A_301 = arith.constant 0 : i32
      %sign3A_302 = arith.cmpi sgt, %add3A_298, %sign3A_301 : i32
      %sign3A_303 = arith.extui %sign3A_302 : i1 to i32
      %sign3A_304 = arith.constant 0 : i32
      %sign3A_305 = arith.cmpi slt, %add3A_298, %sign3A_304 : i32
      %sign3A_306 = arith.extui %sign3A_305 : i1 to i32
      %sign3A_307 = arith.subi %sign3A_303, %sign3A_306 : i32
      %sign3A_308 = arith.constant 0 : i32
      %sign3A_309 = arith.cmpi sgt, %jit3A_299, %sign3A_308 : i32
      %sign3A_310 = arith.extui %sign3A_309 : i1 to i32
      %sign3A_311 = arith.constant 0 : i32
      %sign3A_312 = arith.cmpi slt, %jit3A_299, %sign3A_311 : i32
      %sign3A_313 = arith.extui %sign3A_312 : i1 to i32
      %sign3A_314 = arith.subi %sign3A_310, %sign3A_313 : i32
      %ne3A_315 = arith.cmpi ne, %sign3A_307, %sign3A_314 : i32
      %rem3A_316 = arith.remsi %add3A_298, %jit3A_299 : i32
      %ne3A_317 = arith.constant 0 : i32
      %ne3A_318 = arith.cmpi ne, %rem3A_316, %ne3A_317 : i32
      %and3A_319 = arith.andi %ne3A_315, %ne3A_318 : i1
      %sub3A_320 = arith.constant 1 : i32
      %sub3A_321 = arith.subi %div3A_300, %sub3A_320 : i32
      %select_n3A_322 = arith.select %and3A_319, %sub3A_321, %div3A_300 : i32
      %get3A_323 = arith.index_cast %select_n3A_322 : i32 to index
      %get3A_324 = arith.constant 0 : index
      %get3A_325 = tpu.vector_load %arg6[%get3A_323, %get3A_324] {strides = array<i32>} : memref<200x64xf32, #tpu.memory_space<vmem>>, vector<16xf32>,
      %get3A_326 = arith.index_cast %select_n3A_322 : i32 to index
      %get3A_327 = arith.constant 16 : index
      %get3A_328 = tpu.vector_load %arg6[%get3A_326, %get3A_327] {strides = array<i32>} : memref<200x64xf32, #tpu.memory_space<vmem>>, vector<16xf32>,
      %get3A_329 = arith.index_cast %select_n3A_322 : i32 to index
      %get3A_330 = arith.constant 32 : index
      %get3A_331 = tpu.vector_load %arg6[%get3A_329, %get3A_330] {strides = array<i32>} : memref<200x64xf32, #tpu.memory_space<vmem>>, vector<16xf32>,
      %get3A_332 = arith.index_cast %select_n3A_322 : i32 to index
      %get3A_333 = arith.constant 48 : index
      %get3A_334 = tpu.vector_load %arg6[%get3A_332, %get3A_333] {strides = array<i32>} : memref<200x64xf32, #tpu.memory_space<vmem>>, vector<16xf32>,
      %parallel_loop3A_335 = arith.constant 0 : i32
      %parallel_loop3A_336 = arith.constant 256 : i32
      %parallel_loop3A_337 = arith.constant 1 : i32
      scf.for %parallel_loop3A_400 = %parallel_loop3A_335 to %parallel_loop3A_336 step %parallel_loop3A_337  : i32 {
        %parallel_loop3A_401 = arith.constant 256 : i32
        %parallel_loop3A_402 = arith.addi %parallel_loop3A_401, %parallel_loop3A_400 : i32
        %parallel_loop3A_403 = arith.index_cast %parallel_loop3A_402 : i32 to index
        %parallel_loop3A_404 = arith.constant 0 : index
        %parallel_loop3A_405 = tpu.vector_load %arg8[%parallel_loop3A_403, %parallel_loop3A_404] {strides = array<i32>} : memref<512x128xf32, #tpu.memory_space<vmem>>, vector<16xf32>,
        %parallel_loop3A_406 = arith.addf %parallel_loop3A_405, %get3A_325 : vector<16xf32>
        %parallel_loop3A_407 = arith.constant 256 : i32
        %parallel_loop3A_408 = arith.addi %parallel_loop3A_407, %parallel_loop3A_400 : i32
        %parallel_loop3A_409 = arith.index_cast %parallel_loop3A_408 : i32 to index
        %parallel_loop3A_410 = arith.constant 0 : index
        %parallel_loop3A_411 = tpu.vector_load %arg8[%parallel_loop3A_409, %parallel_loop3A_410] {strides = array<i32>} : memref<512x128xf32, #tpu.memory_space<vmem>>, vector<16xf32>,
        tpu.vector_store %arg8[%parallel_loop3A_409, %parallel_loop3A_410], %parallel_loop3A_406 {strides = array<i32>} : memref<512x128xf32, #tpu.memory_space<vmem>>, vector<16xf32>,
        %parallel_loop3A_412 = arith.constant 256 : i32
        %parallel_loop3A_413 = arith.addi %parallel_loop3A_412, %parallel_loop3A_400 : i32
        %parallel_loop3A_414 = arith.index_cast %parallel_loop3A_413 : i32 to index
        %parallel_loop3A_415 = arith.constant 16 : index
        %parallel_loop3A_416 = tpu.vector_load %arg8[%parallel_loop3A_414, %parallel_loop3A_415] {strides = array<i32>} : memref<512x128xf32, #tpu.memory_space<vmem>>, vector<16xf32>,
        %parallel_loop3A_417 = arith.addf %parallel_loop3A_416, %get3A_328 : vector<16xf32>
        %parallel_loop3A_418 = arith.constant 256 : i32
        %parallel_loop3A_419 = arith.addi %parallel_loop3A_418, %parallel_loop3A_400 : i32
        %parallel_loop3A_420 = arith.index_cast %parallel_loop3A_419 : i32 to index
        %parallel_loop3A_421 = arith.constant 16 : index
        %parallel_loop3A_422 = tpu.vector_load %arg8[%parallel_loop3A_420, %parallel_loop3A_421] {strides = array<i32>} : memref<512x128xf32, #tpu.memory_space<vmem>>, vector<16xf32>,
        tpu.vector_store %arg8[%parallel_loop3A_420, %parallel_loop3A_421], %parallel_loop3A_417 {strides = array<i32>} : memref<512x128xf32, #tpu.memory_space<vmem>>, vector<16xf32>,
        %parallel_loop3A_423 = arith.constant 256 : i32
        %parallel_loop3A_424 = arith.addi %parallel_loop3A_423, %parallel_loop3A_400 : i32
        %parallel_loop3A_425 = arith.index_cast %parallel_loop3A_424 : i32 to index
        %parallel_loop3A_426 = arith.constant 32 : index
        %parallel_loop3A_427 = tpu.vector_load %arg8[%parallel_loop3A_425, %parallel_loop3A_426] {strides = array<i32>} : memref<512x128xf32, #tpu.memory_space<vmem>>, vector<16xf32>,
        %parallel_loop3A_428 = arith.addf %parallel_loop3A_427, %get3A_331 : vector<16xf32>
        %parallel_loop3A_429 = arith.constant 256 : i32
        %parallel_loop3A_430 = arith.addi %parallel_loop3A_429, %parallel_loop3A_400 : i32
        %parallel_loop3A_431 = arith.index_cast %parallel_loop3A_430 : i32 to index
        %parallel_loop3A_432 = arith.constant 32 : index
        %parallel_loop3A_433 = tpu.vector_load %arg8[%parallel_loop3A_431, %parallel_loop3A_432] {strides = array<i32>} : memref<512x128xf32, #tpu.memory_space<vmem>>, vector<16xf32>,
        tpu.vector_store %arg8[%parallel_loop3A_431, %parallel_loop3A_432], %parallel_loop3A_428 {strides = array<i32>} : memref<512x128xf32, #tpu.memory_space<vmem>>, vector<16xf32>,
        %parallel_loop3A_434 = arith.constant 256 : i32
        %parallel_loop3A_435 = arith.addi %parallel_loop3A_434, %parallel_loop3A_400 : i32
        %parallel_loop3A_436 = arith.index_cast %parallel_loop3A_435 : i32 to index
        %parallel_loop3A_437 = arith.constant 48 : index
        %parallel_loop3A_438 = tpu.vector_load %arg8[%parallel_loop3A_436, %parallel_loop3A_437] {strides = array<i32>} : memref<512x128xf32, #tpu.memory_space<vmem>>, vector<16xf32>,
        %parallel_loop3A_439 = arith.addf %parallel_loop3A_438, %get3A_334 : vector<16xf32>
        %parallel_loop3A_440 = arith.constant 256 : i32
        %parallel_loop3A_441 = arith.addi %parallel_loop3A_440, %parallel_loop3A_400 : i32
        %parallel_loop3A_442 = arith.index_cast %parallel_loop3A_441 : i32 to index
        %parallel_loop3A_443 = arith.constant 48 : index
        %parallel_loop3A_444 = tpu.vector_load %arg8[%parallel_loop3A_442, %parallel_loop3A_443] {strides = array<i32>} : memref<512x128xf32, #tpu.memory_space<vmem>>, vector<16xf32>,
        tpu.vector_store %arg8[%parallel_loop3A_442, %parallel_loop3A_443], %parallel_loop3A_439 {strides = array<i32>} : memref<512x128xf32, #tpu.memory_space<vmem>>, vector<16xf32>,
      } {sc.loop_unroll_factor = 8 : i64, sc.parallel_access}
      %mul3A_338 = arith.constant 100 : i32
      %mul3A_339 = arith.muli %add3A, %mul3A_338 : i32
      %add3A_340 = arith.addi %mul3A_339, %add3A_265 : i32
      %jit3A_341 = arith.constant 16 : i32
      %div3A_342 = arith.divsi %add3A_340, %jit3A_341 : i32
      %sign3A_343 = arith.constant 0 : i32
      %sign3A_344 = arith.cmpi sgt, %add3A_340, %sign3A_343 : i32
      %sign3A_345 = arith.extui %sign3A_344 : i1 to i32
      %sign3A_346 = arith.constant 0 : i32
      %sign3A_347 = arith.cmpi slt, %add3A_340, %sign3A_346 : i32
      %sign3A_348 = arith.extui %sign3A_347 : i1 to i32
      %sign3A_349 = arith.subi %sign3A_345, %sign3A_348 : i32
      %sign3A_350 = arith.constant 0 : i32
      %sign3A_351 = arith.cmpi sgt, %jit3A_341, %sign3A_350 : i32
      %sign3A_352 = arith.extui %sign3A_351 : i1 to i32
      %sign3A_353 = arith.constant 0 : i32
      %sign3A_354 = arith.cmpi slt, %jit3A_341, %sign3A_353 : i32
      %sign3A_355 = arith.extui %sign3A_354 : i1 to i32
      %sign3A_356 = arith.subi %sign3A_352, %sign3A_355 : i32
      %ne3A_357 = arith.cmpi ne, %sign3A_349, %sign3A_356 : i32
      %rem3A_358 = arith.remsi %add3A_340, %jit3A_341 : i32
      %ne3A_359 = arith.constant 0 : i32
      %ne3A_360 = arith.cmpi ne, %rem3A_358, %ne3A_359 : i32
      %and3A_361 = arith.andi %ne3A_357, %ne3A_360 : i1
      %sub3A_362 = arith.constant 1 : i32
      %sub3A_363 = arith.subi %div3A_342, %sub3A_362 : i32
      %select_n3A_364 = arith.select %and3A_361, %sub3A_363, %div3A_342 : i32
      %jit3A_365 = arith.constant 16 : i32
      %eq3A_366 = arith.constant 0 : i32
      %eq3A_367 = arith.cmpi eq, %jit3A_365, %eq3A_366 : i32
      %jit3A_368 = arith.constant 1 : i32
      %select_n3A_369 = arith.select %eq3A_367, %jit3A_368, %jit3A_365 : i32
      %rem3A_370 = arith.remsi %add3A_340, %select_n3A_369 : i32
      %ne3A_371 = arith.constant 0 : i32
      %ne3A_372 = arith.cmpi ne, %rem3A_370, %ne3A_371 : i32
      %lt3A_373 = arith.constant 0 : i32
      %lt3A_374 = arith.cmpi slt, %rem3A_370, %lt3A_373 : i32
      %lt3A_375 = arith.constant 0 : i32
      %lt3A_376 = arith.cmpi slt, %select_n3A_369, %lt3A_375 : i32
      %ne3A_377 = arith.xori %lt3A_374, %lt3A_376 : i1
      %and3A_378 = arith.andi %ne3A_377, %ne3A_372 : i1
      %add3A_379 = arith.addi %rem3A_370, %select_n3A_369 : i32
      %select_n3A_380 = arith.select %and3A_378, %add3A_379, %rem3A_370 : i32
      %mul3A_381 = arith.constant 256 : i32
      %mul3A_382 = arith.muli %select_n3A_380, %mul3A_381 : i32
      %dma_start3A_383 = arith.constant 256 : i32
      %dma_start3A_384 = arith.constant 0 : i32
      %dma_start3A_385 = tpu.memref_slice %arg8[%dma_start3A_383, %dma_start3A_384] : memref<512x128xf32, #tpu.memory_space<vmem>> -> memref<256x128xf32, #tpu.memory_space<vmem>>
      %dma_start3A_386 = arith.constant 0 : i32
      %dma_start3A_387 = tpu.memref_slice %arg5[%select_n3A_364, %mul3A_382, %dma_start3A_386] : memref<200x4096x128xf32, #tpu.memory_space<hbm>> -> memref<1x256x128xf32, #tpu.memory_space<hbm>>
      %dma_start3A_388 = tpu.memref_squeeze %dma_start3A_387 : memref<1x256x128xf32, #tpu.memory_space<hbm>> -> memref<256x128xf32, #tpu.memory_space<hbm>>
      %dma_start3A_389 = arith.constant 0 : i32
      %dma_start3A_390 = tpu.memref_slice %arg5[%select_n3A_364, %mul3A_382, %dma_start3A_389] : memref<200x4096x128xf32, #tpu.memory_space<hbm>> -> memref<1x256x128xf32, #tpu.memory_space<hbm>>
      %dma_start3A_391 = tpu.memref_squeeze %dma_start3A_390 : memref<1x256x128xf32, #tpu.memory_space<hbm>> -> memref<256x128xf32, #tpu.memory_space<hbm>>
      %dma_start3A_392 = arith.constant 256 : i32
      %dma_start3A_393 = arith.constant 0 : i32
      %dma_start3A_394 = tpu.memref_slice %arg8[%dma_start3A_392, %dma_start3A_393] : memref<512x128xf32, #tpu.memory_space<vmem>> -> memref<256x128xf32, #tpu.memory_space<vmem>>
      tpu.enqueue_dma source(%dma_start3A_394 : memref<256x128xf32, #tpu.memory_space<vmem>>) target(%dma_start3A_391 : memref<256x128xf32, #tpu.memory_space<hbm>>) target_semaphore(%arg12 : memref<!tpu.dma_semaphore, #tpu.memory_space<semaphore_mem>>)
      %lt3A_395 = arith.constant 100 : i32
      %lt3A_396 = arith.cmpi slt, %sub3A_269, %lt3A_395 : i32
      %convert_element_type3A_397 = arith.extui %lt3A_396 : i1 to i32
      %cond3A_398 = arith.constant 0 : i32
      %cond3A_399 = arith.cmpi ne, %convert_element_type3A_397, %cond3A_398 : i32
      scf.if %cond3A_399 {
        %ge3A = arith.constant 1 : i32
        %ge3A_400 = arith.cmpi sge, %add3A_265, %ge3A : i32
        %convert_element_type3A_401 = arith.extui %ge3A_400 : i1 to i32
        %cond3A_402 = arith.constant 0 : i32
        %cond3A_403 = arith.cmpi ne, %convert_element_type3A_401, %cond3A_402 : i32
        scf.if %cond3A_403 {
          %sub3A_430 = arith.constant 1 : i32
          %sub3A_431 = arith.subi %add3A_265, %sub3A_430 : i32
          %mul3A_432 = arith.constant 100 : i32
          %mul3A_433 = arith.muli %add3A, %mul3A_432 : i32
          %add3A_434 = arith.addi %mul3A_433, %sub3A_431 : i32
          %jit3A_435 = arith.constant 16 : i32
          %div3A_436 = arith.divsi %add3A_434, %jit3A_435 : i32
          %sign3A_437 = arith.constant 0 : i32
          %sign3A_438 = arith.cmpi sgt, %add3A_434, %sign3A_437 : i32
          %sign3A_439 = arith.extui %sign3A_438 : i1 to i32
          %sign3A_440 = arith.constant 0 : i32
          %sign3A_441 = arith.cmpi slt, %add3A_434, %sign3A_440 : i32
          %sign3A_442 = arith.extui %sign3A_441 : i1 to i32
          %sign3A_443 = arith.subi %sign3A_439, %sign3A_442 : i32
          %sign3A_444 = arith.constant 0 : i32
          %sign3A_445 = arith.cmpi sgt, %jit3A_435, %sign3A_444 : i32
          %sign3A_446 = arith.extui %sign3A_445 : i1 to i32
          %sign3A_447 = arith.constant 0 : i32
          %sign3A_448 = arith.cmpi slt, %jit3A_435, %sign3A_447 : i32
          %sign3A_449 = arith.extui %sign3A_448 : i1 to i32
          %sign3A_450 = arith.subi %sign3A_446, %sign3A_449 : i32
          %ne3A_451 = arith.cmpi ne, %sign3A_443, %sign3A_450 : i32
          %rem3A_452 = arith.remsi %add3A_434, %jit3A_435 : i32
          %ne3A_453 = arith.constant 0 : i32
          %ne3A_454 = arith.cmpi ne, %rem3A_452, %ne3A_453 : i32
          %and3A_455 = arith.andi %ne3A_451, %ne3A_454 : i1
          %sub3A_456 = arith.constant 1 : i32
          %sub3A_457 = arith.subi %div3A_436, %sub3A_456 : i32
          %select_n3A_458 = arith.select %and3A_455, %sub3A_457, %div3A_436 : i32
          %jit3A_459 = arith.constant 16 : i32
          %eq3A_460 = arith.constant 0 : i32
          %eq3A_461 = arith.cmpi eq, %jit3A_459, %eq3A_460 : i32
          %jit3A_462 = arith.constant 1 : i32
          %select_n3A_463 = arith.select %eq3A_461, %jit3A_462, %jit3A_459 : i32
          %rem3A_464 = arith.remsi %add3A_434, %select_n3A_463 : i32
          %ne3A_465 = arith.constant 0 : i32
          %ne3A_466 = arith.cmpi ne, %rem3A_464, %ne3A_465 : i32
          %lt3A_467 = arith.constant 0 : i32
          %lt3A_468 = arith.cmpi slt, %rem3A_464, %lt3A_467 : i32
          %lt3A_469 = arith.constant 0 : i32
          %lt3A_470 = arith.cmpi slt, %select_n3A_463, %lt3A_469 : i32
          %ne3A_471 = arith.xori %lt3A_468, %lt3A_470 : i1
          %and3A_472 = arith.andi %ne3A_471, %ne3A_466 : i1
          %add3A_473 = arith.addi %rem3A_464, %select_n3A_463 : i32
          %select_n3A_474 = arith.select %and3A_472, %add3A_473, %rem3A_464 : i32
          %mul3A_475 = arith.constant 256 : i32
          %mul3A_476 = arith.muli %select_n3A_474, %mul3A_475 : i32
          %dma_wait3A_477 = arith.constant 0 : i32
          %dma_wait3A_478 = arith.constant 0 : i32
          %dma_wait3A_479 = tpu.memref_slice %arg8[%dma_wait3A_477, %dma_wait3A_478] : memref<512x128xf32, #tpu.memory_space<vmem>> -> memref<256x128xf32, #tpu.memory_space<vmem>>
          %dma_wait3A_480 = arith.constant 0 : i32
          %dma_wait3A_481 = tpu.memref_slice %arg5[%select_n3A_458, %mul3A_476, %dma_wait3A_480] : memref<200x4096x128xf32, #tpu.memory_space<hbm>> -> memref<1x256x128xf32, #tpu.memory_space<hbm>>
          %dma_wait3A_482 = tpu.memref_squeeze %dma_wait3A_481 : memref<1x256x128xf32, #tpu.memory_space<hbm>> -> memref<256x128xf32, #tpu.memory_space<hbm>>
          %dma_wait3A_483 = arith.constant 0 : i32
          %dma_wait3A_484 = tpu.memref_slice %arg5[%select_n3A_458, %mul3A_476, %dma_wait3A_483] : memref<200x4096x128xf32, #tpu.memory_space<hbm>> -> memref<1x256x128xf32, #tpu.memory_space<hbm>>
          %dma_wait3A_485 = tpu.memref_squeeze %dma_wait3A_484 : memref<1x256x128xf32, #tpu.memory_space<hbm>> -> memref<256x128xf32, #tpu.memory_space<hbm>>
          %dma_wait3A_486 = arith.constant 0 : i32
          %dma_wait3A_487 = arith.constant 0 : i32
          %dma_wait3A_488 = tpu.memref_slice %arg8[%dma_wait3A_486, %dma_wait3A_487] : memref<512x128xf32, #tpu.memory_space<vmem>> -> memref<256x128xf32, #tpu.memory_space<vmem>>
          tpu.wait_dma2 semaphore(%arg11 : memref<!tpu.dma_semaphore, #tpu.memory_space<semaphore_mem>>) src(%dma_wait3A_488 : memref<256x128xf32, #tpu.memory_space<vmem>>) dst(%dma_wait3A_485 : memref<256x128xf32, #tpu.memory_space<hbm>>)
        } else {
        }
        %mul3A_404 = arith.constant 2 : i32
        %mul3A_405 = arith.muli %sub3A_269, %mul3A_404 : i32
        %add3A_406 = arith.constant 0 : i32
        %add3A_407 = arith.addi %mul3A_405, %add3A_406 : i32
        %mul3A_408 = arith.constant 128 : i32
        %mul3A_409 = arith.muli %add3A_407, %mul3A_408 : i32
        %dma_start3A_410 = arith.constant 0 : i32
        %dma_start3A_411 = arith.constant 0 : i32
        %dma_start3A_412 = tpu.memref_slice %arg8[%dma_start3A_410, %dma_start3A_411] : memref<512x128xf32, #tpu.memory_space<vmem>> -> memref<128x128xf32, #tpu.memory_space<vmem>>
        %dma_start3A_413 = tpu.memref_slice %arg7[%mul3A_409] : memref<25600xi32, #tpu.memory_space<vmem>> -> memref<128xi32, #tpu.memory_space<vmem>>
        %dma_start3A_414 = arith.constant 0 : i32
        %dma_start3A_415 = arith.constant 0 : i32
        %dma_start3A_416 = tpu.memref_slice %arg3[%dma_start3A_414, %dma_start3A_415] : memref<1000008x128xf32, #tpu.memory_space<hbm>> -> memref<1000008x128xf32, #tpu.memory_space<hbm>>
        tpu.enqueue_indirect_dma source(%dma_start3A_416 : memref<1000008x128xf32, #tpu.memory_space<hbm>>) target(%dma_start3A_412 : memref<128x128xf32, #tpu.memory_space<vmem>>) offsets(%dma_start3A_413 : memref<128xi32, #tpu.memory_space<vmem>>) semaphore(%arg9 : memref<!tpu.dma_semaphore, #tpu.memory_space<semaphore_mem>>)
        %mul3A_417 = arith.constant 2 : i32
        %mul3A_418 = arith.muli %sub3A_269, %mul3A_417 : i32
        %add3A_419 = arith.constant 1 : i32
        %add3A_420 = arith.addi %mul3A_418, %add3A_419 : i32
        %mul3A_421 = arith.constant 128 : i32
        %mul3A_422 = arith.muli %add3A_420, %mul3A_421 : i32
        %dma_start3A_423 = arith.constant 128 : i32
        %dma_start3A_424 = arith.constant 0 : i32
        %dma_start3A_425 = tpu.memref_slice %arg8[%dma_start3A_423, %dma_start3A_424] : memref<512x128xf32, #tpu.memory_space<vmem>> -> memref<128x128xf32, #tpu.memory_space<vmem>>
        %dma_start3A_426 = tpu.memref_slice %arg7[%mul3A_422] : memref<25600xi32, #tpu.memory_space<vmem>> -> memref<128xi32, #tpu.memory_space<vmem>>
        %dma_start3A_427 = arith.constant 0 : i32
        %dma_start3A_428 = arith.constant 0 : i32
        %dma_start3A_429 = tpu.memref_slice %arg3[%dma_start3A_427, %dma_start3A_428] : memref<1000008x128xf32, #tpu.memory_space<hbm>> -> memref<1000008x128xf32, #tpu.memory_space<hbm>>
        tpu.enqueue_indirect_dma source(%dma_start3A_429 : memref<1000008x128xf32, #tpu.memory_space<hbm>>) target(%dma_start3A_425 : memref<128x128xf32, #tpu.memory_space<vmem>>) offsets(%dma_start3A_426 : memref<128xi32, #tpu.memory_space<vmem>>) semaphore(%arg9 : memref<!tpu.dma_semaphore, #tpu.memory_space<semaphore_mem>>)
      } else {
      }
    }
    %scan3A_21 = arith.constant 50 : i32
    %mul3A_22 = arith.constant 100 : i32
    %mul3A_23 = arith.muli %add3A, %mul3A_22 : i32
    %add3A_24 = arith.constant 98 : i32
    %add3A_25 = arith.addi %mul3A_23, %add3A_24 : i32
    %jit3A = arith.constant 16 : i32
    %div3A = arith.divsi %add3A_25, %jit3A : i32
    %sign3A = arith.constant 0 : i32
    %sign3A_26 = arith.cmpi sgt, %add3A_25, %sign3A : i32
    %sign3A_27 = arith.extui %sign3A_26 : i1 to i32
    %sign3A_28 = arith.constant 0 : i32
    %sign3A_29 = arith.cmpi slt, %add3A_25, %sign3A_28 : i32
    %sign3A_30 = arith.extui %sign3A_29 : i1 to i32
    %sign3A_31 = arith.subi %sign3A_27, %sign3A_30 : i32
    %sign3A_32 = arith.constant 0 : i32
    %sign3A_33 = arith.cmpi sgt, %jit3A, %sign3A_32 : i32
    %sign3A_34 = arith.extui %sign3A_33 : i1 to i32
    %sign3A_35 = arith.constant 0 : i32
    %sign3A_36 = arith.cmpi slt, %jit3A, %sign3A_35 : i32
    %sign3A_37 = arith.extui %sign3A_36 : i1 to i32
    %sign3A_38 = arith.subi %sign3A_34, %sign3A_37 : i32
    %ne3A = arith.cmpi ne, %sign3A_31, %sign3A_38 : i32
    %rem3A = arith.remsi %add3A_25, %jit3A : i32
    %ne3A_39 = arith.constant 0 : i32
    %ne3A_40 = arith.cmpi ne, %rem3A, %ne3A_39 : i32
    %and3A = arith.andi %ne3A, %ne3A_40 : i1
    %sub3A = arith.constant 1 : i32
    %sub3A_41 = arith.subi %div3A, %sub3A : i32
    %select_n3A = arith.select %and3A, %sub3A_41, %div3A : i32
    %jit3A_42 = arith.constant 16 : i32
    %eq3A = arith.constant 0 : i32
    %eq3A_43 = arith.cmpi eq, %jit3A_42, %eq3A : i32
    %jit3A_44 = arith.constant 1 : i32
    %select_n3A_45 = arith.select %eq3A_43, %jit3A_44, %jit3A_42 : i32
    %rem3A_46 = arith.remsi %add3A_25, %select_n3A_45 : i32
    %ne3A_47 = arith.constant 0 : i32
    %ne3A_48 = arith.cmpi ne, %rem3A_46, %ne3A_47 : i32
    %lt3A = arith.constant 0 : i32
    %lt3A_49 = arith.cmpi slt, %rem3A_46, %lt3A : i32
    %lt3A_50 = arith.constant 0 : i32
    %lt3A_51 = arith.cmpi slt, %select_n3A_45, %lt3A_50 : i32
    %ne3A_52 = arith.xori %lt3A_49, %lt3A_51 : i1
    %and3A_53 = arith.andi %ne3A_52, %ne3A_48 : i1
    %add3A_54 = arith.addi %rem3A_46, %select_n3A_45 : i32
    %select_n3A_55 = arith.select %and3A_53, %add3A_54, %rem3A_46 : i32
    %mul3A_56 = arith.constant 256 : i32
    %mul3A_57 = arith.muli %select_n3A_55, %mul3A_56 : i32
    %dma_wait3A = arith.constant 0 : i32
    %dma_wait3A_58 = arith.constant 0 : i32
    %dma_wait3A_59 = tpu.memref_slice %arg8[%dma_wait3A, %dma_wait3A_58] : memref<512x128xf32, #tpu.memory_space<vmem>> -> memref<256x128xf32, #tpu.memory_space<vmem>>
    %dma_wait3A_60 = arith.constant 0 : i32
    %dma_wait3A_61 = tpu.memref_slice %arg5[%select_n3A, %mul3A_57, %dma_wait3A_60] : memref<200x4096x128xf32, #tpu.memory_space<hbm>> -> memref<1x256x128xf32, #tpu.memory_space<hbm>>
    %dma_wait3A_62 = tpu.memref_squeeze %dma_wait3A_61 : memref<1x256x128xf32, #tpu.memory_space<hbm>> -> memref<256x128xf32, #tpu.memory_space<hbm>>
    %dma_wait3A_63 = arith.constant 0 : i32
    %dma_wait3A_64 = tpu.memref_slice %arg5[%select_n3A, %mul3A_57, %dma_wait3A_63] : memref<200x4096x128xf32, #tpu.memory_space<hbm>> -> memref<1x256x128xf32, #tpu.memory_space<hbm>>
    %dma_wait3A_65 = tpu.memref_squeeze %dma_wait3A_64 : memref<1x256x128xf32, #tpu.memory_space<hbm>> -> memref<256x128xf32, #tpu.memory_space<hbm>>
    %dma_wait3A_66 = arith.constant 0 : i32
    %dma_wait3A_67 = arith.constant 0 : i32
    %dma_wait3A_68 = tpu.memref_slice %arg8[%dma_wait3A_66, %dma_wait3A_67] : memref<512x128xf32, #tpu.memory_space<vmem>> -> memref<256x128xf32, #tpu.memory_space<vmem>>
    tpu.wait_dma2 semaphore(%arg11 : memref<!tpu.dma_semaphore, #tpu.memory_space<semaphore_mem>>) src(%dma_wait3A_68 : memref<256x128xf32, #tpu.memory_space<vmem>>) dst(%dma_wait3A_65 : memref<256x128xf32, #tpu.memory_space<hbm>>)
    %mul3A_69 = arith.constant 100 : i32
    %mul3A_70 = arith.muli %add3A, %mul3A_69 : i32
    %add3A_71 = arith.constant 99 : i32
    %add3A_72 = arith.addi %mul3A_70, %add3A_71 : i32
    %jit3A_73 = arith.constant 16 : i32
    %div3A_74 = arith.divsi %add3A_72, %jit3A_73 : i32
    %sign3A_75 = arith.constant 0 : i32
    %sign3A_76 = arith.cmpi sgt, %add3A_72, %sign3A_75 : i32
    %sign3A_77 = arith.extui %sign3A_76 : i1 to i32
    %sign3A_78 = arith.constant 0 : i32
    %sign3A_79 = arith.cmpi slt, %add3A_72, %sign3A_78 : i32
    %sign3A_80 = arith.extui %sign3A_79 : i1 to i32
    %sign3A_81 = arith.subi %sign3A_77, %sign3A_80 : i32
    %sign3A_82 = arith.constant 0 : i32
    %sign3A_83 = arith.cmpi sgt, %jit3A_73, %sign3A_82 : i32
    %sign3A_84 = arith.extui %sign3A_83 : i1 to i32
    %sign3A_85 = arith.constant 0 : i32
    %sign3A_86 = arith.cmpi slt, %jit3A_73, %sign3A_85 : i32
    %sign3A_87 = arith.extui %sign3A_86 : i1 to i32
    %sign3A_88 = arith.subi %sign3A_84, %sign3A_87 : i32
    %ne3A_89 = arith.cmpi ne, %sign3A_81, %sign3A_88 : i32
    %rem3A_90 = arith.remsi %add3A_72, %jit3A_73 : i32
    %ne3A_91 = arith.constant 0 : i32
    %ne3A_92 = arith.cmpi ne, %rem3A_90, %ne3A_91 : i32
    %and3A_93 = arith.andi %ne3A_89, %ne3A_92 : i1
    %sub3A_94 = arith.constant 1 : i32
    %sub3A_95 = arith.subi %div3A_74, %sub3A_94 : i32
    %select_n3A_96 = arith.select %and3A_93, %sub3A_95, %div3A_74 : i32
    %jit3A_97 = arith.constant 16 : i32
    %eq3A_98 = arith.constant 0 : i32
    %eq3A_99 = arith.cmpi eq, %jit3A_97, %eq3A_98 : i32
    %jit3A_100 = arith.constant 1 : i32
    %select_n3A_101 = arith.select %eq3A_99, %jit3A_100, %jit3A_97 : i32
    %rem3A_102 = arith.remsi %add3A_72, %select_n3A_101 : i32
    %ne3A_103 = arith.constant 0 : i32
    %ne3A_104 = arith.cmpi ne, %rem3A_102, %ne3A_103 : i32
    %lt3A_105 = arith.constant 0 : i32
    %lt3A_106 = arith.cmpi slt, %rem3A_102, %lt3A_105 : i32
    %lt3A_107 = arith.constant 0 : i32
    %lt3A_108 = arith.cmpi slt, %select_n3A_101, %lt3A_107 : i32
    %ne3A_109 = arith.xori %lt3A_106, %lt3A_108 : i1
    %and3A_110 = arith.andi %ne3A_109, %ne3A_104 : i1
    %add3A_111 = arith.addi %rem3A_102, %select_n3A_101 : i32
    %select_n3A_112 = arith.select %and3A_110, %add3A_111, %rem3A_102 : i32
    %mul3A_113 = arith.constant 256 : i32
    %mul3A_114 = arith.muli %select_n3A_112, %mul3A_113 : i32
    %dma_wait3A_115 = arith.constant 256 : i32
    %dma_wait3A_116 = arith.constant 0 : i32
    %dma_wait3A_117 = tpu.memref_slice %arg8[%dma_wait3A_115, %dma_wait3A_116] : memref<512x128xf32, #tpu.memory_space<vmem>> -> memref<256x128xf32, #tpu.memory_space<vmem>>
    %dma_wait3A_118 = arith.constant 0 : i32
    %dma_wait3A_119 = tpu.memref_slice %arg5[%select_n3A_96, %mul3A_114, %dma_wait3A_118] : memref<200x4096x128xf32, #tpu.memory_space<hbm>> -> memref<1x256x128xf32, #tpu.memory_space<hbm>>
    %dma_wait3A_120 = tpu.memref_squeeze %dma_wait3A_119 : memref<1x256x128xf32, #tpu.memory_space<hbm>> -> memref<256x128xf32, #tpu.memory_space<hbm>>
    %dma_wait3A_121 = arith.constant 0 : i32
    %dma_wait3A_122 = tpu.memref_slice %arg5[%select_n3A_96, %mul3A_114, %dma_wait3A_121] : memref<200x4096x128xf32, #tpu.memory_space<hbm>> -> memref<1x256x128xf32, #tpu.memory_space<hbm>>
    %dma_wait3A_123 = tpu.memref_squeeze %dma_wait3A_122 : memref<1x256x128xf32, #tpu.memory_space<hbm>> -> memref<256x128xf32, #tpu.memory_space<hbm>>
    %dma_wait3A_124 = arith.constant 256 : i32
    %dma_wait3A_125 = arith.constant 0 : i32
    %dma_wait3A_126 = tpu.memref_slice %arg8[%dma_wait3A_124, %dma_wait3A_125] : memref<512x128xf32, #tpu.memory_space<vmem>> -> memref<256x128xf32, #tpu.memory_space<vmem>>
    tpu.wait_dma2 semaphore(%arg12 : memref<!tpu.dma_semaphore, #tpu.memory_space<semaphore_mem>>) src(%dma_wait3A_126 : memref<256x128xf32, #tpu.memory_space<vmem>>) dst(%dma_wait3A_123 : memref<256x128xf32, #tpu.memory_space<hbm>>)
    return
  }
}

</mosaic_0001>

<sc_bundles>
// kernel: _sc_call.3.cloned.1.call-start
scs
__scs_entry_jumppad:
0x0: {  	(pc) =	sbr.rel $0x88, $3  }
0x1: {  	(tag) =	ssettag $0x0;
	lr =	simm.s32 $0x1  }
0x2: {  	[smem:$0x3F9E] =	sst lr;
	_ =	strace $0xD0000000  }
0x3: {  	_ = 	snop  }
0x4: {  	_ = 	snop  }
0x5: {  	_ = 	snop  }
0x6: {  	_ = 	snop  }
0x7: {  	_ = 	snop  }
__scs_overlays_trampoline_lowered:
0x8: {  	[smem:$0x3FAD] =	sst s0  }
0x9: {  	[smem:$0x3FAE] =	sst s1  }
0xa: {  	[smem:$0x3FAF] =	sst s2  }
0xb: {  	[smem:$0x3FB0] =	sst s3  }
0xc: {  	[smem:$0x3FB1] =	sst s4  }
0xd: {  	[smem:$0x3FB2] =	sst s5  }
0xe: {  	[smem:$0x3FB3] =	sst s6  }
0xf: {  	[smem:$0x3FB4] =	sst s7  }
0x10: {  	[smem:$0x3FB5] =	sst s8  }
0x11: {  	[smem:$0x3FB6] =	sst s9;
	s0 =	simm.s32 @!p0 $0x0  }
0x12: {  	s1 =	sld [smem:$0x3F9C];
	s0 =	simm.s32 @p0 $0x1  }
0x13: {  	[smem:$0x3FB7] =	sst s0;
	s0 =	simm.s32 @!p1 $0x0  }
0x14: {  	s2 =	sld [smem:$0x3F9B];
	s0 =	simm.s32 @p1 $0x1  }
0x15: {  	[smem:$0x3FB8] =	sst s0;
	s0 =	simm.s32 @!p2 $0x0  }
0x16: {  	s3 =	sld [smem:$0x3FDB];
	s0 =	simm.s32 @p2 $0x1  }
0x17: {  	s4 =	simm.s32 $0x1BF5;
	[smem:$0x3FBA] =	sst s0  }
0x18: {  	s0 =	sld [smem:$0x3F9D];
	_ =	swait.ge [sflag:s4], $0x0  }
0x19: {  	s7 =	sld [smem:$0x3F9E]  }
0x1a: {  	s8 =	sadd.s32 $0xFFFFE003, lr  }
0x1b: {  	s9 =	sadd.s32 $0xFFFFFEF7, lr;
	s5 =	simm.s32 $0xFFFFFFFF;
	p2 =	slt.u32 s8, $0xFFFFF086  }
0x1c: {  	p1 =	slt.u32 s9, $0xF7A;
	s5 =	simm.s32 @!p2 $0x0  }
0x1d: {  	s5 =	simm.s32 @p1 $0x1;
	p0 =	seq.s32 s7, s2  }
0x1e: {  	s7 =	smul.u32 @!p0 $0xF7A, s2;
	p2 =	seq.s32 @!p0 s5, $0x0  }
0x1f: {  	s9 =	smul.u32 $0xF7A, s1;
	s8 =	simm.s32 @!p0 $0x1BF5;
	p2 =	por !p2, p0  }
0x20: {  	[sflag:s8] =	ssyncset.s32 @!p0 $0xFFFFF086;
	s6 =	sadd.s32 @!p0 s3, s7;
	s7 =	simm.s32 @!p0 $0x108  }
0x21: {  	s3 =	sadd.s32 s3, s9;
	s6 =	sadd.s32 @!p0 $0x88, s6;
	s7 =	simm.s32 @p2 $0x1082  }
0x22: {  	[simem:s7], [sflag:s8] =	dma.local @!p0 [hbm:s6], $0xF7A  }
0x23: {  	s9 =	sor.u32 $0xD0000000, s2;
	s6 =	simm.s32 $0x108;
	_ =	swait.ge @!p0 [sflag:s8], $0x0  }
0x24: {  	s3 =	sadd.s32 $0x88, s3;
	s6 =	simm.s32 @!p1 $0x1082;
	[sflag:s4] =	ssyncset.s32 $0xFFFFF086  }
0x25: {  	[simem:s6], [sflag:s4] =	dma.local [hbm:s3], $0xF7A  }
0x26: {  	[smem:$0x3F9E] =	sst s1;
	(tag) =	ssettag s2;
	_ =	strace s9  }
0x27: {  	s1 =	sld [smem:$0x3FAE]  }
0x28: {  	s2 =	sld [smem:$0x3FAF]  }
0x29: {  	s4 =	sld [smem:$0x3FB1]  }
0x2a: {  	p0 =	seq.s32 s5, $0x0;
	s5 =	sld [smem:$0x3FB2]  }
0x2b: {  	s6 =	sld [smem:$0x3FB3]  }
0x2c: {  	s7 =	sld [smem:$0x3FB4]  }
0x2d: {  	s3 =	simm.s32 $0x108;
	s8 =	sld [smem:$0x3FB5]  }
0x2e: {  	s3 =	simm.s32 @!p0 $0x1082;
	s9 =	sld [smem:$0x3FB6]  }
0x2f: {  	lr =	sadd.s32 s0, s3;
	s0 =	sld [smem:$0x3FAD]  }
0x30: {  	s3 =	sld [smem:$0x3FB0]  }
0x31: {  	[smem:$0x3FB9] =	sst s10  }
0x32: {  	s10 =	sld [smem:$0x3FB7];
	_ =	sdelay $0x3  }
0x33: {  	p0 =	seq.s32 s10, $0x1;
	s10 =	sld [smem:$0x3FB9];
	_ =	sdelay $0x3  }
0x34: {  	[smem:$0x3FB9] =	sst s10  }
0x35: {  	s10 =	sld [smem:$0x3FB8];
	_ =	sdelay $0x3  }
0x36: {  	p1 =	seq.s32 s10, $0x1;
	s10 =	sld [smem:$0x3FB9];
	_ =	sdelay $0x3  }
0x37: {  	[smem:$0x3FB9] =	sst s10  }
0x38: {  	s10 =	sld [smem:$0x3FBA]  }
0x39: {  	_ = 	snop;
	(pc) =	sbr.ind lr, $3  }
0x3a: {  	_ = 	snop  }
0x3b: {  	_ = 	snop  }
0x3c: {  	p2 =	seq.s32 s10, $0x1;
	s10 =	sld [smem:$0x3FB9]  }
0x3d: {  	_ =	shalt  }
0x3e: {  	_ =	shalt  }
0x3f: {  	_ =	shalt  }
0x40: {  	_ =	shalt  }
0x41: {  	_ =	shalt  }
0x42: {  	_ =	shalt  }
0x43: {  	_ =	shalt  }
0x44: {  	_ =	shalt  }
0x45: {  	_ =	shalt  }
0x46: {  	_ =	shalt  }
0x47: {  	_ =	shalt  }
0x48: {  	_ =	shalt  }
0x49: {  	_ =	shalt  }
0x4a: {  	_ =	shalt  }
0x4b: {  	_ =	shalt  }
0x4c: {  	_ =	shalt  }
0x4d: {  	_ =	shalt  }
0x4e: {  	_ =	shalt  }
0x4f: {  	_ =	shalt  }
0x50: {  	_ =	shalt  }
0x51: {  	_ =	shalt  }
0x52: {  	_ =	shalt  }
0x53: {  	_ =	shalt  }
0x54: {  	_ =	shalt  }
0x55: {  	_ =	shalt  }
0x56: {  	_ =	shalt  }
0x57: {  	_ =	shalt  }
0x58: {  	_ =	shalt  }
0x59: {  	_ =	shalt  }
0x5a: {  	_ =	shalt  }
0x5b: {  	_ =	shalt  }
0x5c: {  	_ =	shalt  }
0x5d: {  	_ =	shalt  }
0x5e: {  	_ =	shalt  }
0x5f: {  	_ =	shalt  }
0x60: {  	_ =	shalt  }
0x61: {  	_ =	shalt  }
0x62: {  	_ =	shalt  }
0x63: {  	_ =	shalt  }
0x64: {  	_ =	shalt  }
0x65: {  	_ =	shalt  }
0x66: {  	_ =	shalt  }
0x67: {  	_ =	shalt  }
0x68: {  	_ =	shalt  }
0x69: {  	_ =	shalt  }
0x6a: {  	_ =	shalt  }
0x6b: {  	_ =	shalt  }
0x6c: {  	_ =	shalt  }
0x6d: {  	_ =	shalt  }
0x6e: {  	_ =	shalt  }
0x6f: {  	_ =	shalt  }
0x70: {  	_ =	shalt  }
0x71: {  	_ =	shalt  }
0x72: {  	_ =	shalt  }
0x73: {  	_ =	shalt  }
0x74: {  	_ =	shalt  }
0x75: {  	_ =	shalt  }
0x76: {  	_ =	shalt  }
0x77: {  	_ =	shalt  }
0x78: {  	_ =	shalt  }
0x79: {  	_ =	shalt  }
0x7a: {  	_ =	shalt  }
0x7b: {  	_ =	shalt  }
0x7c: {  	_ =	shalt  }
0x7d: {  	_ =	shalt  }
0x7e: {  	_ =	shalt  }
0x7f: {  	_ =	shalt  }
0x80: {  	_ =	shalt  }
0x81: {  	_ =	shalt  }
0x82: {  	_ =	shalt  }
0x83: {  	_ =	shalt  }
0x84: {  	_ =	shalt  }
0x85: {  	_ =	shalt  }
0x86: {  	_ =	shalt  }
0x87: {  	_ =	shalt  }
.Lfunc_end0:
.L_simem_size_0:
called_computation_lowered:
.L_overlay_start_0:
0x88: {  	s2 =	sld [smem:$0x3FD9]  }
0x89: {  	s3 =	sld [smem:$0x3FFE];
	_ =	sdelay $0x1  }
0x8a: {  	s1 =	srdreg.scid  }
0x8b: {  	s0 =	sand.u32 $0x1, s1  }
0x8c: {  	s17 =	sshll.u32 s0, $0xA;
	s2 =	sadd.s32 s3, s2  }
0x8d: {  	s2 =	sadd.s32 s2, s17  }
0x8e: {  	[smem:$0x3FC5] =	sst s2  }
0x8f: {  	_ = 	snop  }
0x90: {  	s2 =	sld [smem:$0x3FC9]  }
0x91: {  	s18 =	sld [smem:$0x3FC8]  }
0x92: {  	s4 =	sld [smem:$0x3FD0];
	(tm) =	ssettm $0x1  }
0x93: {  	s5 =	sld [smem:$0x3FFB];
	_ =	sdelay $0x3  }
0x94: {  	_ =	strace s5  }
0x95: {  	s5 =	sld [smem:$0x3FFC];
	_ =	sdelay $0x3  }
0x96: {  	_ =	strace s5  }
0x97: {  	s5 =	sld [smem:$0x3FFD];
	_ =	sdelay $0x3  }
0x98: {  	_ =	strace s5  }
0x99: {  	_ =	strace $0x8FFFFFFF  }
0x9a: {  	s19 =	sld [smem:$0x3FDB];
	_ =	sdelay $0x1  }
0x9b: {  	s6 =	simm.s32 $_scs_section_size  }
0x9c: {  	s7 =	simm.s32 $_size__tile_overlayer_lowered;
	s8 =	simm.s32 $_tile_overlayer_lowered  }
0x9d: {  	s22 =	simm.s32 $0x1BFF;
	s21 =	sshll.u32 s8, $0x1;
	s5 =	sadd.s32 s6, s19  }
0x9e: {  	s9 =	simm.s32 $0x0;
	s20 =	sshll.u32 s7, $0x1;
	s7 =	sadd.s32 s21, s5  }
0x9f: {  	[timem:s9], [sflag:s22] =	dma.local [hbm:s7], s20  }
0xa0: {  	_ =	swait.ge [sflag:s22], s20  }
0xa1: {  	s6 =	ssub.s32 $0x0, s20;
	[sflag:s22] =	ssyncset.done $0x0  }
0xa2: {  	[sflag:s22] =	ssyncadd.s32 s6;
	_ =	sdelay $0x1  }
0xa3: {  	s23 =	simm.s32 $0x1B8B  }
0xa4: {  	_ =	swait.ge [sflag:s23], $0x1  }
0xa5: {  	[sflag:s23] =	ssyncset.done $0x0  }
0xa6: {  	s25 =	simm.s32 $0x1B8E;
	s24 =	sld [smem:$0x3FFE];
	[sflag:s23] =	ssyncadd.s32 $0xFFFFFFFF  }
0xa7: {  	s26 =	simm.s32 $execute0_lowered;
	[smem:$0x3FD2] =	sst s25  }
0xa8: {  	s7 =	sshll.u32 s26, $0x1;
	_ =	strace $0x80000046;
	[dreg:$0x1] =	wrdreg $0xFFFFFFFF  }
0xa9: {  	s28 =	simm.s32 $_size_execute0_lowered;
	s5 =	sadd.s32 s5, s7;
	[dreg:$0x0] =	wrdreg $0x0  }
0xaa: {  	s7 =	sshll.u32 s28, $0x1;
	[dreg:$0x2] =	wrdreg s5  }
0xab: {  	[dreg:$0x3] =	wrdreg s7  }
0xac: {  	[dreg:$0x4] =	wrdreg $0xC0  }
0xad: {  	_ =	task [dreg:s9], $0x5FFFF  }
0xae: {  	[dreg:$0x1] =	wrdreg $0xFFFFFFFF  }
0xaf: {  	[dreg:$0x0] =	wrdreg $0x60  }
0xb0: {  	[dreg:$0x2] =	wrdreg s2  }
0xb1: {  	[dreg:$0x3] =	wrdreg s18  }
0xb2: {  	[dreg:$0x4] =	wrdreg s24  }
0xb3: {  	[dreg:$0x5] =	wrdreg s4  }
0xb4: {  	[dreg:$0x6] =	wrdreg $0x9  }
0xb5: {  	_ =	task.clear_ibuf [dreg:s9], $0x7FFFF;
	_ =	strace $0x90000046  }
0xb6: {  	s29 =	simm.s32 $0x9;
	_ =	strace $0x80000048  }
0xb7: {  	_ =	swait.ge [sflag:s29], $0x1  }
0xb8: {  	[sflag:s29] =	ssyncadd.s32 $0xFFFFFFFF  }
0xb9: {  	_ =	strace $0x90000048  }
0xba: {  	_ =	sfence  }
0xbb: {  	s30 =	sld [smem:$0x0];
	_ =	sdelay $0x2  }
0xbc: {  	s31 =	sshll.u32 s1, $0xD;
	s1 =	sshrl.u32 s1, $0x2  }
0xbd: {  	s3 =	sand.u32 $0x4000, s31;
	s1 =	sadd.s32 s1, s30  }
0xbe: {  	s0 =	sor.u32 s3, s0;
	s1 =	sshll.u32 s1, $0x11  }
0xbf: {  	s0 =	sor.u32 s1, s0  }
0xc0: {  	s0 =	sadd.s32 $0x8F2B, s0  }
0xc1: {  	[sflag:s0] =	ssyncadd.remote.s32 $0x1  }
0xc2: {  	_ =	sfence.sel $0xFFFF  }
0xc3: {  	[dreg:$0x0] =	wrdreg $0xFFFFFFFF;
	(pc) =	sbr.abs _section_cstart, $3  }
0xc4: {  	[dreg:$0x1] =	wrdreg $0xFFFFFFFF  }
0xc5: {  	_ =	task.clear_ibuf [dreg:s9], $0x2FFFF;
	_ =	strace $0x9FFFFFFF  }
0xc6: {  	(tm) =	ssettm $0x7FFFFFFF  }
0xc7: {  	_ =	shalt  }
tec
execute0_lowered:
.L_overlay_start_1:
0x0: {  	(tag) =	ssettag $0x1  }
0x1: {  	s6 =	rddreg [dreg:$0x0]  }
0x2: {  	s1 =	rddreg [dreg:$0x1]  }
0x3: {  	s5 =	rddreg [dreg:$0x2]  }
0x4: {  	s2 =	srdreg.scid;
	s0 =	stileid.u32  }
0x5: {  	s3 =	rddreg [dreg:$0x3];
	s4 =	simm.s32 $0x0;
	s11 =	simm.s32 $0x80  }
0x6: {  	s12 =	simm.s32 $0x9600;
	s13 =	simm.s32 $0x3280;
	s14 =	simm.s32 $0xD600  }
0x7: {  	s15 =	simm.s32 $0x1;
	s16 =	simm.s32 $0x15600;
	s17 =	simm.s32 $0x2  }
0x8: {  	s18 =	simm.s32 $0x11600;
	s19 =	simm.s32 $0x3;
	s20 =	simm.s32 $0x4  }
0x9: {  	s21 =	simm.s32 $0x0;
	s7 =	sand.u32 $0x1, s2;
	s8 =	sshll.u32 s0, $0x1  }
.Ltmp0:
0xa: {  	s2 =	rddreg [dreg:$0x4];
	s8 =	sor.u32 s7, s8;
	(pc) =	sbr.rel .LBB2_1-.Ltmp0, $4  }
0xb: {  	[smem:$0x7FF] =	sst s4;
	s7 =	ssub.s32 $0x2, s7;
	s9 =	smul.u32 $0xC80, s8  }
0xc: {  	s5 =	sadd.s32 $0x400, s5;
	_ =	strace $0x80000047;
	s10 =	sshrl.u32 s7, $0x1  }
0xd: {  	s10 =	ssub.s32 s7, s10;
	s7 =	smul.u32 $0x64, s8;
	s6 =	sadd.s32 s6, s9  }
0xe: {  	s8 =	smax.u32 s10, $0x1;
	s9 =	simm.s32 $0x5;
	s10 =	simm.s32 $0x3200  }
.LBB2_8:
0xf: {  	s21 =	sadd.s32 $0x1, s21  }
0x10: {  	p0 =	sne.s32 s21, s8  }
.Ltmp1:
0x11: {  	_ = 	snop;
	(pc) =	sbr.rel @!p0 .LBB2_9-.Ltmp1, $4  }
0x12: {  	_ = 	snop  }
0x13: {  	_ =	swait.ge [sflag:s20], $0x8000  }
0x14: {  	[sflag:s20] =	ssyncset.done $0x0  }
0x15: {  	[sflag:s20] =	ssyncadd.s32 $0xFFFF8000  }
.LBB2_1:
0x16: {  	[tilespmem:s4], [sflag:$0x5] =	stream.linear.gather [hbm4b:s5+s4], $0x3200, $0x38;
	[tilespmem:$0x19600] =	vst v63  }
0x17: {  	_ =	swait.ge [sflag:s9], $0x3200  }
0x18: {  	[sflag:s9] =	ssyncset.done $0x0  }
0x19: {  	[sflag:s9] =	ssyncadd.s32 $0xFFFFCE00  }
0x1a: {  	[tilespmem:s10], [sflag:$0x5] =	stream.linear.gather [hbm4b:s6+s4], $0x6400, $0x38;
	[tilespmem:$0x19600] =	vst v63  }
0x1b: {  	_ =	swait.ge [sflag:s9], $0x6400  }
0x1c: {  	[sflag:s9] =	ssyncset.done $0x0  }
0x1d: {  	[sflag:s9] =	ssyncadd.s32 $0xFFFF9C00  }
0x1e: {  	[tilespmem:s12], [sflag:$0x1] =	stream.indirect.gather [hbm4b:s1+s11], $0x80, s10, s11, $0xb8;
	[tilespmem:$0x19600] =	vst v63  }
0x1f: {  	s22 =	simm.s32 $0x0  }
0x20: {  	[tilespmem:s14], [sflag:$0x1] =	stream.indirect.gather [hbm4b:s1+s11], $0x80, s13, s11, $0xb8;
	[tilespmem:$0x19600] =	vst v63  }
.LBB2_2:
0x21: {  	_ =	swait.ge [sflag:s15], $0x4000  }
0x22: {  	[sflag:s15] =	ssyncset.done $0x0  }
0x23: {  	s23 =	sshll.u32 s22, $0x1;
	[sflag:s15] =	ssyncadd.s32 $0xFFFFC000  }
0x24: {  	s24 =	sadd.s32 s7, s23;
	_ =	swait.ge [sflag:s15], $0x4000  }
0x25: {  	s25 =	sshll.u32 s24, $0x2;
	[sflag:s15] =	ssyncset.done $0x0  }
0x26: {  	s25 =	sand.u32 $0x3FFFFFC0, s25;
	[sflag:s15] =	ssyncadd.s32 $0xFFFFC000  }
0x27: {  	v0 =	vld [tilespmem:s25+$0x0]  }
0x28: {  	v2 =	vld [tilespmem:s25+$0x10]  }
0x29: {  	v1 =	vld [tilespmem:s25+$0x20]  }
0x2a: {  	v3 =	vld [tilespmem:s25+$0x30];
	s25 =	simm.s32 $0x9800  }
0x2b: {  	v4 =	vld [tilespmem:s25+$0x1B0]  }
0x2c: {  	v5 =	vld [tilespmem:s25+$0xFFFFFE10]  }
0x2d: {  	v6 =	vld [tilespmem:s25+$0xFFFFFE20]  }
0x2e: {  	v7 =	vld [tilespmem:s25+$0xFFFFFE30]  }
0x2f: {  	v8 =	vld [tilespmem:s25+$0xFFFFFE80]  }
0x30: {  	v9 =	vld [tilespmem:s25+$0xFFFFFE90];
	v4 =	vadd.f32 v4, v3  }
0x31: {  	v10 =	vld [tilespmem:s25+$0xFFFFFEA0];
	v5 =	vadd.f32 v5, v2  }
0x32: {  	v11 =	vld [tilespmem:s25+$0xFFFFFEB0];
	v6 =	vadd.f32 v6, v1;
	[tilespmem:s25+$0x1B0] =	vst v4  }
0x33: {  	[tilespmem:s25+$0xFFFFFE10] =	vst v5;
	v4 =	vadd.f32 v7, v3;
	v5 =	vld [tilespmem:s25+$0xFFFFFF00]  }
0x34: {  	[tilespmem:s25+$0xFFFFFE20] =	vst v6;
	v6 =	vadd.f32 v8, v0;
	v7 =	vld [tilespmem:s25+$0xFFFFFF10]  }
0x35: {  	v8 =	vld [tilespmem:s25+$0xFFFFFF20];
	[tilespmem:s25+$0xFFFFFE30] =	vst v4;
	v4 =	vadd.f32 v9, v2  }
0x36: {  	[tilespmem:s25+$0xFFFFFE80] =	vst v6;
	v6 =	vadd.f32 v10, v1;
	v9 =	vld [tilespmem:s25+$0xFFFFFF30]  }
0x37: {  	v10 =	vld [tilespmem:s25+$0xFFFFFF80];
	[tilespmem:s25+$0xFFFFFE90] =	vst v4;
	v4 =	vadd.f32 v11, v3  }
0x38: {  	[tilespmem:s25+$0xFFFFFEA0] =	vst v6;
	v6 =	vld [tilespmem:s25+$0xFFFFFF90];
	v5 =	vadd.f32 v5, v0  }
0x39: {  	[tilespmem:s25+$0xFFFFFEB0] =	vst v4;
	v4 =	vadd.f32 v7, v2;
	v7 =	vld [tilespmem:s25+$0xFFFFFFA0]  }
0x3a: {  	[tilespmem:s25+$0xFFFFFF00] =	vst v5;
	v5 =	vadd.f32 v8, v1;
	v8 =	vld [tilespmem:s25+$0xFFFFFFB0]  }
0x3b: {  	[tilespmem:s25+$0xFFFFFF10] =	vst v4;
	v4 =	vadd.f32 v9, v3;
	v9 =	vld [tilespmem:s25+$0x0]  }
0x3c: {  	[tilespmem:s25+$0xFFFFFF20] =	vst v5;
	v5 =	vadd.f32 v10, v0;
	v10 =	vld [tilespmem:s25+$0x10]  }
0x3d: {  	[tilespmem:s25+$0xFFFFFF30] =	vst v4;
	v4 =	vadd.f32 v6, v2;
	v6 =	vld [tilespmem:s25+$0x20]  }
0x3e: {  	[tilespmem:s25+$0xFFFFFF80] =	vst v5;
	v5 =	vadd.f32 v7, v1;
	v7 =	vld [tilespmem:s25+$0x30]  }
0x3f: {  	[tilespmem:s25+$0xFFFFFF90] =	vst v4;
	v4 =	vadd.f32 v8, v3;
	v8 =	vld [tilespmem:s25+$0x80]  }
0x40: {  	[tilespmem:s25+$0xFFFFFFA0] =	vst v5;
	v5 =	vadd.f32 v9, v0;
	v9 =	vld [tilespmem:s25+$0x90]  }
0x41: {  	[tilespmem:s25+$0xFFFFFFB0] =	vst v4;
	v4 =	vadd.f32 v10, v2;
	v10 =	vld [tilespmem:s25+$0xA0]  }
0x42: {  	[tilespmem:s25+$0x0] =	vst v5;
	v5 =	vadd.f32 v6, v1;
	v6 =	vld [tilespmem:s25+$0xB0]  }
0x43: {  	[tilespmem:s25+$0x10] =	vst v4;
	v4 =	vadd.f32 v7, v3;
	v7 =	vld [tilespmem:s25+$0x100]  }
0x44: {  	[tilespmem:s25+$0x20] =	vst v5;
	v5 =	vadd.f32 v8, v0;
	v8 =	vld [tilespmem:s25+$0x110]  }
0x45: {  	v11 =	vld [tilespmem:s25+$0x120];
	[tilespmem:s25+$0x30] =	vst v4;
	v9 =	vadd.f32 v9, v2  }
0x46: {  	v4 =	vld [tilespmem:s25+$0x130];
	[tilespmem:s25+$0x80] =	vst v5;
	v10 =	vadd.f32 v10, v1  }
0x47: {  	v5 =	vld [tilespmem:s25+$0x180];
	[tilespmem:s25+$0x90] =	vst v9;
	v9 =	vadd.f32 v6, v3  }
0x48: {  	v6 =	vld [tilespmem:s25+$0x190];
	[tilespmem:s25+$0xA0] =	vst v10;
	v10 =	vadd.f32 v7, v0  }
0x49: {  	v7 =	vld [tilespmem:s25+$0x1A0];
	[tilespmem:s25+$0xB0] =	vst v9;
	v9 =	vadd.f32 v8, v2  }
0x4a: {  	s28 =	simm.s32 $0x0;
	s29 =	simm.s32 $0x9C00;
	s26 =	sshrl.u32 s24, $0x4;
	v8 =	vld [tilespmem:s25+$0xFFFFFE00];
	[tilespmem:s25+$0x100] =	vst v10;
	v10 =	vadd.f32 v11, v1  }
.LBB2_3:
0x4b: {  	v11 =	vld [tilespmem:s29+$0x1B0];
	s28 =	sadd.s32 $0x8, s28;
	[tilespmem:s25+$0x110] =	vst v9;
	v4 =	vadd.f32 v4, v3  }
0x4c: {  	v9 =	vld [tilespmem:s29+$0xFFFFFE10];
	p0 =	slt.u32 s28, $0xF8;
	[tilespmem:s25+$0x120] =	vst v10;
	v5 =	vadd.f32 v5, v0  }
0x4d: {  	v10 =	vld [tilespmem:s29+$0xFFFFFE20];
	[tilespmem:s25+$0x130] =	vst v4;
	v4 =	vadd.f32 v6, v2  }
0x4e: {  	v6 =	vld [tilespmem:s29+$0xFFFFFE30];
	[tilespmem:s25+$0x180] =	vst v5;
	v5 =	vadd.f32 v7, v1  }
0x4f: {  	v7 =	vld [tilespmem:s29+$0xFFFFFE80];
	v8 =	vadd.f32 v8, v0;
	[tilespmem:s25+$0x190] =	vst v4  }
0x50: {  	v4 =	vld [tilespmem:s29+$0xFFFFFE90];
	v11 =	vadd.f32 v11, v3;
	[tilespmem:s25+$0x1A0] =	vst v5  }
0x51: {  	v5 =	vadd.f32 v9, v2;
	v9 =	vld [tilespmem:s29+$0xFFFFFEA0];
	[tilespmem:s25+$0xFFFFFE00] =	vst v8;
	s25 =	smov.u32 s29  }
0x52: {  	v8 =	vadd.f32 v10, v1;
	v10 =	vld [tilespmem:s29+$0xFFFFFEB0];
	[tilespmem:s29+$0x1B0] =	vst v11  }
0x53: {  	[tilespmem:s29+$0xFFFFFE10] =	vst v5;
	v5 =	vadd.f32 v6, v3;
	v6 =	vld [tilespmem:s29+$0xFFFFFF00]  }
0x54: {  	[tilespmem:s29+$0xFFFFFE20] =	vst v8;
	v7 =	vadd.f32 v7, v0;
	v8 =	vld [tilespmem:s29+$0xFFFFFF10]  }
0x55: {  	[tilespmem:s29+$0xFFFFFE30] =	vst v5;
	v4 =	vadd.f32 v4, v2;
	v5 =	vld [tilespmem:s29+$0xFFFFFF20]  }
0x56: {  	[tilespmem:s29+$0xFFFFFE80] =	vst v7;
	v7 =	vadd.f32 v9, v1;
	v9 =	vld [tilespmem:s29+$0xFFFFFF30]  }
0x57: {  	[tilespmem:s29+$0xFFFFFE90] =	vst v4;
	v4 =	vadd.f32 v10, v3;
	v10 =	vld [tilespmem:s29+$0xFFFFFF80]  }
0x58: {  	[tilespmem:s29+$0xFFFFFEA0] =	vst v7;
	v6 =	vadd.f32 v6, v0;
	v7 =	vld [tilespmem:s29+$0xFFFFFF90]  }
0x59: {  	[tilespmem:s29+$0xFFFFFEB0] =	vst v4;
	v4 =	vadd.f32 v8, v2;
	v8 =	vld [tilespmem:s29+$0xFFFFFFA0]  }
0x5a: {  	[tilespmem:s29+$0xFFFFFF00] =	vst v6;
	v5 =	vadd.f32 v5, v1;
	v6 =	vld [tilespmem:s29+$0xFFFFFFB0]  }
0x5b: {  	[tilespmem:s29+$0xFFFFFF10] =	vst v4;
	v4 =	vadd.f32 v9, v3;
	v9 =	vld [tilespmem:s29+$0x0]  }
0x5c: {  	[tilespmem:s29+$0xFFFFFF20] =	vst v5;
	v5 =	vadd.f32 v10, v0;
	v10 =	vld [tilespmem:s29+$0x10]  }
0x5d: {  	[tilespmem:s29+$0xFFFFFF30] =	vst v4;
	v4 =	vadd.f32 v7, v2;
	v7 =	vld [tilespmem:s29+$0x20]  }
0x5e: {  	[tilespmem:s29+$0xFFFFFF80] =	vst v5;
	v5 =	vadd.f32 v8, v1;
	v8 =	vld [tilespmem:s29+$0x30]  }
0x5f: {  	[tilespmem:s29+$0xFFFFFF90] =	vst v4;
	v4 =	vadd.f32 v6, v3;
	v6 =	vld [tilespmem:s29+$0x80]  }
0x60: {  	[tilespmem:s29+$0xFFFFFFA0] =	vst v5;
	v5 =	vadd.f32 v9, v0;
	v9 =	vld [tilespmem:s29+$0x90]  }
0x61: {  	[tilespmem:s29+$0xFFFFFFB0] =	vst v4;
	v4 =	vadd.f32 v10, v2;
	v10 =	vld [tilespmem:s29+$0xA0]  }
0x62: {  	[tilespmem:s29+$0x0] =	vst v5;
	v5 =	vadd.f32 v7, v1;
	v7 =	vld [tilespmem:s29+$0xB0]  }
0x63: {  	[tilespmem:s29+$0x10] =	vst v4;
	v4 =	vadd.f32 v8, v3;
	v8 =	vld [tilespmem:s29+$0x100]  }
0x64: {  	[tilespmem:s29+$0x20] =	vst v5;
	v5 =	vadd.f32 v6, v0;
	v11 =	vld [tilespmem:s29+$0x110]  }
0x65: {  	[tilespmem:s29+$0x30] =	vst v4;
	v6 =	vadd.f32 v9, v2;
	v12 =	vld [tilespmem:s29+$0x120]  }
.Ltmp2:
0x66: {  	[tilespmem:s29+$0x80] =	vst v5;
	v9 =	vadd.f32 v10, v1;
	v4 =	vld [tilespmem:s29+$0x130];
	(pc) =	sbr.rel @p0 .LBB2_3-.Ltmp2, $4  }
0x67: {  	[tilespmem:s29+$0x90] =	vst v6;
	v7 =	vadd.f32 v7, v3;
	v5 =	vld [tilespmem:s29+$0x180]  }
0x68: {  	[tilespmem:s29+$0xA0] =	vst v9;
	v10 =	vadd.f32 v8, v0;
	v6 =	vld [tilespmem:s29+$0x190]  }
0x69: {  	[tilespmem:s29+$0xB0] =	vst v7;
	v9 =	vadd.f32 v11, v2;
	v7 =	vld [tilespmem:s29+$0x1A0]  }
0x6a: {  	s29 =	sadd.s32 $0x400, s29;
	v8 =	vld [tilespmem:s25+$0xFFFFFE00];
	[tilespmem:s25+$0x100] =	vst v10;
	v10 =	vadd.f32 v12, v1  }
0x6b: {  	[tilespmem:s25+$0x110] =	vst v9;
	v3 =	vadd.f32 v4, v3  }
0x6c: {  	[tilespmem:s25+$0x120] =	vst v10;
	v4 =	vadd.f32 v5, v0  }
0x6d: {  	[tilespmem:s25+$0x130] =	vst v3;
	v2 =	vadd.f32 v6, v2  }
0x6e: {  	s24 =	sshll.u32 s24, $0xC;
	[tilespmem:s25+$0x180] =	vst v4;
	v1 =	vadd.f32 v7, v1  }
0x6f: {  	s24 =	sand.u32 $0xE000, s24;
	v0 =	vadd.f32 v8, v0;
	[tilespmem:s25+$0x190] =	vst v2  }
0x70: {  	s26 =	sshll.u32 s26, $0x10;
	p0 =	seq.s32 s22, $0x0;
	s24 =	sadd.s32 s3, s24;
	[tilespmem:s25+$0x1A0] =	vst v1  }
0x71: {  	s31 =	sor.u32 $0x1, s23;
	s23 =	simm.s32 @!p0 $0x4;
	s24 =	sadd.s32 s26, s24;
	[tilespmem:s25+$0xFFFFFE00] =	vst v0  }
0x72: {  	[hbm4b:s24+s4] =	stream.linear.scatter [tilespmem:s12], [sflag:$0x3], $0x8000, $0x38;
	[tilespmem:$0x19600] =	vst v63  }
0x73: {  	s29 =	sshll.u32 s31, $0x8;
	_ =	swait.ge @!p0 [sflag:s23], $0x8000  }
0x74: {  	s25 =	sand.u32 $0x3FFFFF00, s29;
	[sflag:s23] =	ssyncset.done @!p0 $0x0  }
0x75: {  	s30 =	sadd.s32 $0x3200, s25;
	[sflag:s23] =	ssyncadd.s32 @!p0 $0xFFFF8000;
	s23 =	simm.s32 $0x11600  }
0x76: {  	[tilespmem:s23], [sflag:$0x2] =	stream.indirect.gather [hbm4b:s1+s11], $0x80, s30, s11, $0xb8;
	[tilespmem:$0x19600] =	vst v63  }
0x77: {  	s25 =	sadd.s32 $0x3280, s25  }
0x78: {  	[tilespmem:s16], [sflag:$0x2] =	stream.indirect.gather [hbm4b:s1+s11], $0x80, s25, s11, $0xb8;
	[tilespmem:$0x19600] =	vst v63  }
0x79: {  	_ =	swait.ge [sflag:s17], $0x4000  }
0x7a: {  	[sflag:s17] =	ssyncset.done $0x0  }
0x7b: {  	[sflag:s17] =	ssyncadd.s32 $0xFFFFC000  }
0x7c: {  	s24 =	sadd.s32 s7, s31;
	_ =	swait.ge [sflag:s17], $0x4000  }
0x7d: {  	s31 =	sshll.u32 s24, $0x2;
	[sflag:s17] =	ssyncset.done $0x0  }
0x7e: {  	s25 =	sand.u32 $0x3FFFFFC0, s31;
	[sflag:s17] =	ssyncadd.s32 $0xFFFFC000  }
0x7f: {  	v0 =	vld [tilespmem:s25+$0x0]  }
0x80: {  	v2 =	vld [tilespmem:s25+$0x10]  }
0x81: {  	v1 =	vld [tilespmem:s25+$0x20]  }
0x82: {  	v3 =	vld [tilespmem:s25+$0x30]  }
0x83: {  	v4 =	vld [tilespmem:s23+$0x3B0]  }
0x84: {  	v5 =	vld [tilespmem:s23+$0x10]  }
0x85: {  	v6 =	vld [tilespmem:s23+$0x20]  }
0x86: {  	v7 =	vld [tilespmem:s23+$0x30]  }
0x87: {  	v8 =	vld [tilespmem:s23+$0x80]  }
0x88: {  	v9 =	vld [tilespmem:s23+$0x90];
	v4 =	vadd.f32 v4, v3  }
0x89: {  	v10 =	vld [tilespmem:s23+$0xA0];
	v5 =	vadd.f32 v5, v2  }
0x8a: {  	v11 =	vld [tilespmem:s23+$0xB0];
	v6 =	vadd.f32 v6, v1;
	[tilespmem:s23+$0x3B0] =	vst v4  }
0x8b: {  	[tilespmem:s23+$0x10] =	vst v5;
	v4 =	vadd.f32 v7, v3;
	v5 =	vld [tilespmem:s23+$0x100]  }
0x8c: {  	[tilespmem:s23+$0x20] =	vst v6;
	v6 =	vadd.f32 v8, v0;
	v7 =	vld [tilespmem:s23+$0x110]  }
0x8d: {  	v8 =	vld [tilespmem:s23+$0x120];
	[tilespmem:s23+$0x30] =	vst v4;
	v4 =	vadd.f32 v9, v2  }
0x8e: {  	[tilespmem:s23+$0x80] =	vst v6;
	v6 =	vadd.f32 v10, v1;
	v9 =	vld [tilespmem:s23+$0x130]  }
0x8f: {  	v10 =	vld [tilespmem:s23+$0x180];
	[tilespmem:s23+$0x90] =	vst v4;
	v4 =	vadd.f32 v11, v3  }
0x90: {  	[tilespmem:s23+$0xA0] =	vst v6;
	v6 =	vld [tilespmem:s23+$0x190];
	v5 =	vadd.f32 v5, v0  }
0x91: {  	[tilespmem:s23+$0xB0] =	vst v4;
	v4 =	vadd.f32 v7, v2;
	v7 =	vld [tilespmem:s23+$0x1A0]  }
0x92: {  	[tilespmem:s23+$0x100] =	vst v5;
	v5 =	vadd.f32 v8, v1;
	v8 =	vld [tilespmem:s23+$0x1B0]  }
0x93: {  	[tilespmem:s23+$0x110] =	vst v4;
	v4 =	vadd.f32 v9, v3;
	v9 =	vld [tilespmem:s23+$0x200]  }
0x94: {  	[tilespmem:s23+$0x120] =	vst v5;
	v5 =	vadd.f32 v10, v0;
	v10 =	vld [tilespmem:s23+$0x210]  }
0x95: {  	[tilespmem:s23+$0x130] =	vst v4;
	v4 =	vadd.f32 v6, v2;
	v6 =	vld [tilespmem:s23+$0x220]  }
0x96: {  	[tilespmem:s23+$0x180] =	vst v5;
	v5 =	vadd.f32 v7, v1;
	v7 =	vld [tilespmem:s23+$0x230]  }
0x97: {  	[tilespmem:s23+$0x190] =	vst v4;
	v4 =	vadd.f32 v8, v3;
	v8 =	vld [tilespmem:s23+$0x280]  }
0x98: {  	[tilespmem:s23+$0x1A0] =	vst v5;
	v5 =	vadd.f32 v9, v0;
	v9 =	vld [tilespmem:s23+$0x290]  }
0x99: {  	[tilespmem:s23+$0x1B0] =	vst v4;
	v4 =	vadd.f32 v10, v2;
	v10 =	vld [tilespmem:s23+$0x2A0]  }
0x9a: {  	[tilespmem:s23+$0x200] =	vst v5;
	v5 =	vadd.f32 v6, v1;
	v6 =	vld [tilespmem:s23+$0x2B0]  }
0x9b: {  	[tilespmem:s23+$0x210] =	vst v4;
	v4 =	vadd.f32 v7, v3;
	v7 =	vld [tilespmem:s23+$0x300]  }
0x9c: {  	[tilespmem:s23+$0x220] =	vst v5;
	v5 =	vadd.f32 v8, v0;
	v8 =	vld [tilespmem:s23+$0x310]  }
0x9d: {  	v11 =	vld [tilespmem:s23+$0x320];
	[tilespmem:s23+$0x230] =	vst v4;
	v9 =	vadd.f32 v9, v2  }
0x9e: {  	v4 =	vld [tilespmem:s23+$0x330];
	[tilespmem:s23+$0x280] =	vst v5;
	v10 =	vadd.f32 v10, v1  }
0x9f: {  	v5 =	vld [tilespmem:s23+$0x380];
	[tilespmem:s23+$0x290] =	vst v9;
	v9 =	vadd.f32 v6, v3  }
0xa0: {  	v6 =	vld [tilespmem:s23+$0x390];
	[tilespmem:s23+$0x2A0] =	vst v10;
	v10 =	vadd.f32 v7, v0  }
0xa1: {  	v7 =	vld [tilespmem:s23+$0x3A0];
	[tilespmem:s23+$0x2B0] =	vst v9;
	v9 =	vadd.f32 v8, v2  }
0xa2: {  	s28 =	simm.s32 $0x11A00;
	s26 =	simm.s32 $0x0;
	s25 =	sshrl.u32 s24, $0x4;
	v8 =	vld [tilespmem:s23+$0x0];
	[tilespmem:s23+$0x300] =	vst v10;
	v10 =	vadd.f32 v11, v1  }
.LBB2_5:
0xa3: {  	v11 =	vld [tilespmem:s28+$0x3B0];
	s26 =	sadd.s32 $0x8, s26;
	[tilespmem:s23+$0x310] =	vst v9;
	v4 =	vadd.f32 v4, v3  }
0xa4: {  	v9 =	vld [tilespmem:s28+$0x10];
	p0 =	slt.u32 s26, $0xF8;
	[tilespmem:s23+$0x320] =	vst v10;
	v5 =	vadd.f32 v5, v0  }
0xa5: {  	v10 =	vld [tilespmem:s28+$0x20];
	[tilespmem:s23+$0x330] =	vst v4;
	v4 =	vadd.f32 v6, v2  }
0xa6: {  	v6 =	vld [tilespmem:s28+$0x30];
	[tilespmem:s23+$0x380] =	vst v5;
	v5 =	vadd.f32 v7, v1  }
0xa7: {  	v7 =	vld [tilespmem:s28+$0x80];
	v8 =	vadd.f32 v8, v0;
	[tilespmem:s23+$0x390] =	vst v4  }
0xa8: {  	v4 =	vld [tilespmem:s28+$0x90];
	v11 =	vadd.f32 v11, v3;
	[tilespmem:s23+$0x3A0] =	vst v5  }
0xa9: {  	v5 =	vadd.f32 v9, v2;
	v9 =	vld [tilespmem:s28+$0xA0];
	[tilespmem:s23+$0x0] =	vst v8;
	s23 =	smov.u32 s28  }
0xaa: {  	v8 =	vadd.f32 v10, v1;
	v10 =	vld [tilespmem:s28+$0xB0];
	[tilespmem:s28+$0x3B0] =	vst v11  }
0xab: {  	[tilespmem:s28+$0x10] =	vst v5;
	v5 =	vadd.f32 v6, v3;
	v6 =	vld [tilespmem:s28+$0x100]  }
0xac: {  	[tilespmem:s28+$0x20] =	vst v8;
	v7 =	vadd.f32 v7, v0;
	v8 =	vld [tilespmem:s28+$0x110]  }
0xad: {  	[tilespmem:s28+$0x30] =	vst v5;
	v4 =	vadd.f32 v4, v2;
	v5 =	vld [tilespmem:s28+$0x120]  }
0xae: {  	[tilespmem:s28+$0x80] =	vst v7;
	v7 =	vadd.f32 v9, v1;
	v9 =	vld [tilespmem:s28+$0x130]  }
0xaf: {  	[tilespmem:s28+$0x90] =	vst v4;
	v4 =	vadd.f32 v10, v3;
	v10 =	vld [tilespmem:s28+$0x180]  }
0xb0: {  	[tilespmem:s28+$0xA0] =	vst v7;
	v6 =	vadd.f32 v6, v0;
	v7 =	vld [tilespmem:s28+$0x190]  }
0xb1: {  	[tilespmem:s28+$0xB0] =	vst v4;
	v4 =	vadd.f32 v8, v2;
	v8 =	vld [tilespmem:s28+$0x1A0]  }
0xb2: {  	[tilespmem:s28+$0x100] =	vst v6;
	v5 =	vadd.f32 v5, v1;
	v6 =	vld [tilespmem:s28+$0x1B0]  }
0xb3: {  	[tilespmem:s28+$0x110] =	vst v4;
	v4 =	vadd.f32 v9, v3;
	v9 =	vld [tilespmem:s28+$0x200]  }
0xb4: {  	[tilespmem:s28+$0x120] =	vst v5;
	v5 =	vadd.f32 v10, v0;
	v10 =	vld [tilespmem:s28+$0x210]  }
0xb5: {  	[tilespmem:s28+$0x130] =	vst v4;
	v4 =	vadd.f32 v7, v2;
	v7 =	vld [tilespmem:s28+$0x220]  }
0xb6: {  	[tilespmem:s28+$0x180] =	vst v5;
	v5 =	vadd.f32 v8, v1;
	v8 =	vld [tilespmem:s28+$0x230]  }
0xb7: {  	[tilespmem:s28+$0x190] =	vst v4;
	v4 =	vadd.f32 v6, v3;
	v6 =	vld [tilespmem:s28+$0x280]  }
0xb8: {  	[tilespmem:s28+$0x1A0] =	vst v5;
	v5 =	vadd.f32 v9, v0;
	v9 =	vld [tilespmem:s28+$0x290]  }
0xb9: {  	[tilespmem:s28+$0x1B0] =	vst v4;
	v4 =	vadd.f32 v10, v2;
	v10 =	vld [tilespmem:s28+$0x2A0]  }
0xba: {  	[tilespmem:s28+$0x200] =	vst v5;
	v5 =	vadd.f32 v7, v1;
	v7 =	vld [tilespmem:s28+$0x2B0]  }
0xbb: {  	[tilespmem:s28+$0x210] =	vst v4;
	v4 =	vadd.f32 v8, v3;
	v8 =	vld [tilespmem:s28+$0x300]  }
0xbc: {  	[tilespmem:s28+$0x220] =	vst v5;
	v5 =	vadd.f32 v6, v0;
	v11 =	vld [tilespmem:s28+$0x310]  }
0xbd: {  	[tilespmem:s28+$0x230] =	vst v4;
	v6 =	vadd.f32 v9, v2;
	v12 =	vld [tilespmem:s28+$0x320]  }
.Ltmp3:
0xbe: {  	[tilespmem:s28+$0x280] =	vst v5;
	v9 =	vadd.f32 v10, v1;
	v4 =	vld [tilespmem:s28+$0x330];
	(pc) =	sbr.rel @p0 .LBB2_5-.Ltmp3, $4  }
0xbf: {  	[tilespmem:s28+$0x290] =	vst v6;
	v7 =	vadd.f32 v7, v3;
	v5 =	vld [tilespmem:s28+$0x380]  }
0xc0: {  	[tilespmem:s28+$0x2A0] =	vst v9;
	v10 =	vadd.f32 v8, v0;
	v6 =	vld [tilespmem:s28+$0x390]  }
0xc1: {  	[tilespmem:s28+$0x2B0] =	vst v7;
	v9 =	vadd.f32 v11, v2;
	v7 =	vld [tilespmem:s28+$0x3A0]  }
0xc2: {  	s28 =	sadd.s32 $0x400, s28;
	v8 =	vld [tilespmem:s23+$0x0];
	[tilespmem:s23+$0x300] =	vst v10;
	v10 =	vadd.f32 v12, v1  }
0xc3: {  	[tilespmem:s23+$0x310] =	vst v9;
	v3 =	vadd.f32 v4, v3  }
0xc4: {  	[tilespmem:s23+$0x320] =	vst v10;
	v62 =	vadd.f32 v5, v0  }
0xc5: {  	[tilespmem:s23+$0x330] =	vst v3;
	v2 =	vadd.f32 v6, v2  }
0xc6: {  	s24 =	sshll.u32 s24, $0xC;
	[tilespmem:s23+$0x380] =	vst v62;
	v1 =	vadd.f32 v7, v1  }
0xc7: {  	s24 =	sand.u32 $0xF000, s24;
	v63 =	vadd.f32 v8, v0;
	[tilespmem:s23+$0x390] =	vst v2  }
0xc8: {  	s25 =	sshll.u32 s25, $0x10;
	p0 =	seq.s32 s22, $0x31;
	s24 =	sadd.s32 s3, s24;
	[tilespmem:s23+$0x3A0] =	vst v1  }
.Ltmp4:
0xc9: {  	s31 =	sadd.s32 s25, s24;
	[tilespmem:s23+$0x0] =	vst v63;
	(pc) =	sbr.rel @p0 .LBB2_8-.Ltmp4, $4  }
0xca: {  	[hbm4b:s31+s4] =	stream.linear.scatter [tilespmem:s18], [sflag:$0x4], $0x8000, $0x38;
	[tilespmem:$0x19600] =	vst v63  }
0xcb: {  	_ =	swait.ge [sflag:s19], $0x8000  }
0xcc: {  	[sflag:s19] =	ssyncset.done $0x0  }
0xcd: {  	[sflag:s19] =	ssyncadd.s32 $0xFFFF8000  }
0xce: {  	s23 =	sshll.u32 s22, $0x9  }
.Ltmp5:
0xcf: {  	s23 =	sand.u32 $0x3FFFFE00, s23;
	(pc) =	sbr.rel .LBB2_2-.Ltmp5, $4  }
0xd0: {  	s24 =	sadd.s32 $0x3400, s23  }
0xd1: {  	[tilespmem:s12], [sflag:$0x1] =	stream.indirect.gather [hbm4b:s1+s11], $0x80, s24, s11, $0xb8;
	[tilespmem:$0x19600] =	vst v63  }
0xd2: {  	s22 =	sadd.s32 $0x1, s22;
	s23 =	sadd.s32 $0x3480, s23  }
0xd3: {  	[tilespmem:s14], [sflag:$0x1] =	stream.indirect.gather [hbm4b:s1+s11], $0x80, s23, s11, $0xb8;
	[tilespmem:$0x19600] =	vst v63  }
.LBB2_9:
0xd4: {  	_ =	sfence.sel $0x180000  }
0xd5: {  	[bflag:$0x0] =	sbarrier.arrive $0xFFFF  }
0xd6: {  	p0 =	sne.s32 s0, $0x0;
	_ =	strace $0x90000047  }
0xd7: {  	s0 =	sadd.s32 @!p0 $0x100000, s2;
	[bflag:$0x2] =	sbarrier.arrive $0xFFFF  }
0xd8: {  	[sflag:s0] =	ssyncadd.tile.s32 @!p0 $0x1;
	_ =	shalt  }
.Lfunc_end2:
_tile_overlayer_lowered:
.L_overlay_start_2:
0xd9: {  	(tag) =	ssettag $0x2  }
0xda: {  	s0 =	rddreg [dreg:$0x0];
	s2 =	stileid.u32  }
0xdb: {  	s1 =	rddreg [dreg:$0x1];
	p0 =	sne.s32 s2, $0x0  }
0xdc: {  	s3 =	rddreg [dreg:$0x2];
	[bflag:$0x3] =	sbarrier.arrive $0xFFFF;
	s2 =	simm.s32 @!p0 $0x1C05  }
0xdd: {  	[timem:s3], [sflag:s2] =	dma.local @!p0 [hbm:s0], s1  }
0xde: {  	s0 =	simm.s32 @!p0 $0x5  }
0xdf: {  	_ =	swait.ge @!p0 [sflag:s0], s1  }
0xe0: {  	s1 =	ssub.s32 @!p0 $0x0, s1;
	[sflag:s0] =	ssyncset.done @!p0 $0x0  }
0xe1: {  	[sflag:s0] =	ssyncadd.s32 @!p0 s1  }
0xe2: {  	[bflag:$0x3] =	sbarrier.arrive $0xFFFF  }
0xe3: {  	_ =	shalt  }

</sc_bundles>
